<compile_context>
chip_gen: v7x
topology: tpu7x:2x2x1
jax: 0.10.2.dev20260603
libtpu: 0.0.44.dev20260713+nightly
codegen_flags: <defaults>
</compile_context>

<pallas_src>
import functools

import jax
import jax.numpy as jnp
from jax import lax
from jax.experimental import pallas as pl
from jax.experimental.pallas import tpu as pltpu
from jax.experimental.pallas import tpu_sc as plsc

_B, _L, _T, _D, _K = 16, 4000, 800, 256, 8192
_NROW = _B * _T


def _conv(x, w, stride, pad):
    return lax.conv_general_dilated(
        x, w, (stride,), [(pad, pad)], dimension_numbers=('NCH', 'OIH', 'NCH'))


def _sc_gather(table, idx):
    nc, ns = 2, 16
    bpw = _NROW // (nc * ns)

    @functools.partial(
        pl.kernel,
        mesh=plsc.VectorSubcoreMesh(core_axis_name="c", subcore_axis_name="s"),
        out_type=jax.ShapeDtypeStruct((_NROW, _D), jnp.float32),
        scratch_types=[
            pltpu.VMEM((bpw,), jnp.int32),
            pltpu.VMEM((bpw, _D), jnp.float32),
            pltpu.SemaphoreType.DMA,
        ],
    )
    def gk(table_hbm, idx_hbm, out_hbm, idx_v, rows_v, sem):
        wid = lax.axis_index("s") * nc + lax.axis_index("c")
        base = wid * bpw
        pltpu.sync_copy(idx_hbm.at[pl.ds(base, bpw)], idx_v)
        pltpu.async_copy(table_hbm.at[idx_v], rows_v, sem).wait()
        pltpu.sync_copy(rows_v, out_hbm.at[pl.ds(base, bpw)])

    return gk(table, idx)


def _dec_body(q_ref, z_ref, dw1r_ref, dw2r_ref, dw3r_ref, rec_ref, com_ref,
              gp_ref, g2p_ref):
    qb = q_ref[0]
    zb = z_ref[0]
    dzq = zb - qb
    com_ref[0] = jnp.sum(jnp.sum(dzq * dzq, axis=1, keepdims=True),
                         axis=0, keepdims=True)
    gp_ref[...] = jnp.zeros((5, 808, 128), jnp.float32)
    for j in range(5):
        gp_ref[j, 1:801, :] = jnp.maximum(
            jnp.dot(qb, dw1r_ref[:, j * 128:(j + 1) * 128],
                    preferred_element_type=jnp.float32), 0.0)
    g2p_ref[...] = jnp.zeros((5, 808, 64), jnp.float32)
    for r in range(5):
        acc = jnp.zeros((800, 64), jnp.float32)
        for jp in range(5):
            mm = r + jp - 2
            p, dlt = mm % 5, mm // 5
            acc = acc + jnp.dot(gp_ref[p, 1 + dlt:801 + dlt, :], dw2r_ref[jp],
                                preferred_element_type=jnp.float32)
        g2p_ref[r, 1:801, :] = jnp.maximum(acc, 0.0)
    recs = []
    for r in range(5):
        acc = jnp.zeros((800, 1), jnp.float32)
        for jpp in range(9):
            mm = r + jpp - 4
            p, dlt = mm % 5, mm // 5
            acc = acc + jnp.sum(g2p_ref[p, 1 + dlt:801 + dlt, :]
                                * dw3r_ref[jpp:jpp + 1, :], axis=1, keepdims=True)
        recs.append(acc)
    rec_ref[0] = jnp.concatenate(recs, axis=1)


def _decode(q3, zT, dw1r, dw2r, dw3r):
    return pl.pallas_call(
        _dec_body,
        grid=(_B,),
        in_specs=[
            pl.BlockSpec((1, _T, _D), lambda b: (b, 0, 0)),
            pl.BlockSpec((1, _T, _D), lambda b: (b, 0, 0)),
            pl.BlockSpec((256, 640), lambda b: (0, 0)),
            pl.BlockSpec((5, 128, 64), lambda b: (0, 0, 0)),
            pl.BlockSpec((9, 64), lambda b: (0, 0)),
        ],
        out_specs=[
            pl.BlockSpec((1, _T, 5), lambda b: (b, 0, 0)),
            pl.BlockSpec((1, 1, 1), lambda b: (b, 0, 0)),
        ],
        out_shape=[
            jax.ShapeDtypeStruct((_B, _T, 5), jnp.float32),
            jax.ShapeDtypeStruct((_B, 1, 1), jnp.float32),
        ],
        scratch_shapes=[
            pltpu.VMEM((5, 808, 128), jnp.float32),
            pltpu.VMEM((5, 808, 64), jnp.float32),
        ],
    )(q3, zT, dw1r, dw2r, dw3r)


def kernel(x, mean_w, std_w1, w2, w3, codebook, dw1, dw2, dw3):
    h = jnp.concatenate([_conv(x, mean_w, 1, 4), _conv(x, std_w1, 1, 4)], axis=1)
    h = jax.nn.relu(h)
    h = jax.nn.relu(_conv(h, w2, 5, 0))
    z = _conv(h, w3, 1, 2)
    zt = jnp.transpose(z, (0, 2, 1))
    flat = zt.reshape(-1, _D)
    d = (jnp.sum(flat * flat, axis=1, keepdims=True)
         - 2.0 * flat @ codebook.T
         + jnp.sum(codebook * codebook, axis=1)[None, :])
    idx = jnp.argmin(d, axis=1)
    q = jnp.take(codebook, idx, axis=0).reshape(_B, _T, _D)
    quantized = zt + lax.stop_gradient(q - zt)
    commit_loss = jnp.mean(jnp.sum((zt - lax.stop_gradient(q)) ** 2, axis=-1))
    dw1r = jnp.concatenate([dw1[:, :, 4 - j].T for j in range(5)], axis=1)
    dw2r = dw2.transpose(2, 1, 0)
    dw3r = dw3[0].T
    rec, _ = _decode(quantized, zt, dw1r, dw2r, dw3r)
    recon = rec.reshape(_B, 1, _L)
    return recon, idx.reshape(_B, _T), commit_loss

# --- scband reference (transcript-rebuilt; emitter-appended) ---
"""Pipeline reference for scband-nanopore-vqmodel-3410204033662 (READ-ONLY COPY).

The authoritative reference and input builder live on the scoring server;
editing this copy changes nothing except your own understanding.
"""

import jax, jax.numpy as jnp
import numpy as np


def _conv1d(x, w, stride, pad):
    return jax.lax.conv_general_dilated(x, w, (stride,), [(pad, pad)], dimension_numbers=('NCH', 'OIH', 'NCH'))


def _conv_t1d(x, w, stride):
    return jax.lax.conv_transpose(x, w, (stride,), 'VALID', dimension_numbers=('NCH', 'OIH', 'NCH'))


def setup_inputs(seed: int = 0):
    key = jax.random.key(seed)
    ks = jax.random.split(key, 10)
    B, L = 16, 4000
    D, K = 256, 8192
    x = jax.random.normal(ks[0], (B, 1, L), dtype=jnp.float32)
    # Conv1dWithMeanChannel: channel 0 is windowed mean (weight fixed to 1/k), rest standard conv
    mean_w = jnp.full((1, 1, 9), 1.0 / 9.0, dtype=jnp.float32)
    std_w1 = jax.random.normal(ks[1], (63, 1, 9), dtype=jnp.float32) * 0.1
    w2 = jax.random.normal(ks[2], (128, 64, 5), dtype=jnp.float32) * 0.05
    w3 = jax.random.normal(ks[3], (256, 128, 5), dtype=jnp.float32) * 0.05
    codebook = jax.random.normal(ks[4], (K, D), dtype=jnp.float32)
    dw1 = jax.random.normal(ks[5], (128, 256, 5), dtype=jnp.float32) * 0.05
    dw2 = jax.random.normal(ks[6], (64, 128, 5), dtype=jnp.float32) * 0.05
    dw3 = jax.random.normal(ks[7], (1, 64, 9), dtype=jnp.float32) * 0.05
    return {'x': x, 'mean_w': mean_w, 'std_w1': std_w1, 'w2': w2, 'w3': w3,
            'codebook': codebook, 'dw1': dw1, 'dw2': dw2, 'dw3': dw3}


def reference(x, mean_w, std_w1, w2, w3, codebook, dw1, dw2, dw3):
    # ---- encoder (cnn_type=0: 1 -> 64 -> 128 -> codebook_dim=256, total stride 5, RF 33) ----
    # layer 1: Conv1dWithMeanChannel(64, k=9, s=1, p=4): mean channel + 63 standard channels
    h = jnp.concatenate([_conv1d(x, mean_w, 1, 4), _conv1d(x, std_w1, 1, 4)], axis=1)
    h = jax.nn.relu(h)
    # layer 2: Conv1d(64 -> 128, k=5, s=5)
    h = jax.nn.relu(_conv1d(h, w2, 5, 0))
    # layer 3: Conv1d(128 -> 256, k=5, s=1, p=2)
    z = _conv1d(h, w3, 1, 2)  # [B, 256, T]
    # ---- vector quantize ----
    zt = jnp.transpose(z, (0, 2, 1))  # [B, T, D]
    B, T, D = zt.shape
    flat = zt.reshape(-1, D)
    d = (jnp.sum(flat * flat, axis=1, keepdims=True)
         - 2.0 * flat @ codebook.T
         + jnp.sum(codebook * codebook, axis=1)[None, :])
    idx = jnp.argmin(d, axis=1)
    q = jnp.take(codebook, idx, axis=0).reshape(B, T, D)
    quantized = zt + jax.lax.stop_gradient(q - zt)  # straight-through
    commit_loss = jnp.mean(jnp.sum((zt - jax.lax.stop_gradient(q.reshape(B, T, D))) ** 2, axis=-1))
    qz = jnp.transpose(quantized, (0, 2, 1))  # [B, D, T]
    # ---- decoder (strictly mirrored) ----
    g = jax.nn.relu(_conv_t1d(qz, dw1, 5))        # 256 -> 128, upsample x5
    g = jax.nn.relu(_conv1d(g, dw2, 1, 2))        # 128 -> 64
    recon = _conv1d(g, dw3, 1, 4)                 # 64 -> 1
    return recon, idx.reshape(B, T), commit_loss

if __name__ == "__main__":
    import jax
    _d = setup_inputs()
    print(jax.jit(kernel)(*tuple(_d.values())))

</pallas_src>

<mosaic_0001>
module attributes {stable_mosaic.version = 14 : i64} {
  func.func @_dec_body(%arg0: i32, %arg1: memref<1x800x256xf32, #tpu.memory_space<vmem>>, %arg2: memref<1x800x256xf32, #tpu.memory_space<vmem>>, %arg3: memref<256x640xf32, #tpu.memory_space<vmem>>, %arg4: memref<5x128x64xf32, #tpu.memory_space<vmem>>, %arg5: memref<9x64xf32, #tpu.memory_space<vmem>>, %arg6: memref<1x800x5xf32, #tpu.memory_space<vmem>>, %arg7: memref<1x1x1xf32, #tpu.memory_space<vmem>>, %arg8: memref<5x808x128xf32, #tpu.memory_space<vmem>>, %arg9: memref<5x808x64xf32, #tpu.memory_space<vmem>>) attributes {dimension_semantics = [#tpu.dimension_semantics<arbitrary>], iteration_bounds = array<i64: 16>, scalar_prefetch = 0 : i64, scratch_operands = 2 : i64, tpu.core_type = #tpu.core_type<tc>, window_params = [{transform_indices = @transform_0, window_bounds = array<i64: 1, 800, 256>}, {transform_indices = @transform_1, window_bounds = array<i64: 1, 800, 256>}, {pipeline_mode = #tpu.pipeline_mode<synchronous>, transform_indices = @transform_2, window_bounds = array<i64: 256, 640>}, {pipeline_mode = #tpu.pipeline_mode<synchronous>, transform_indices = @transform_3, window_bounds = array<i64: 5, 128, 64>}, {pipeline_mode = #tpu.pipeline_mode<synchronous>, transform_indices = @transform_4, window_bounds = array<i64: 9, 64>}, {transform_indices = @transform_5, window_bounds = array<i64: 1, 800, 5>}, {transform_indices = @transform_6, window_bounds = array<i64: 1, 1, 1>}]} {
    %get3A = arith.constant 0 : index
    %get3A_0 = arith.constant 0 : index
    %get3A_1 = arith.constant 0 : index
    %get3A_2 = vector.load %arg1[%get3A, %get3A_0, %get3A_1] : memref<1x800x256xf32, #tpu.memory_space<vmem>>, vector<1x800x256xf32>
    %get3A_3 = vector.shape_cast %get3A_2 : vector<1x800x256xf32> to vector<800x256xf32>
    %get3A_4 = arith.constant 0 : index
    %get3A_5 = arith.constant 0 : index
    %get3A_6 = arith.constant 0 : index
    %get3A_7 = vector.load %arg2[%get3A_4, %get3A_5, %get3A_6] : memref<1x800x256xf32, #tpu.memory_space<vmem>>, vector<1x800x256xf32>
    %get3A_8 = vector.shape_cast %get3A_7 : vector<1x800x256xf32> to vector<800x256xf32>
    %sub3A = arith.subf %get3A_8, %get3A_3 : vector<800x256xf32>
    %mul3A = arith.mulf %sub3A, %sub3A : vector<800x256xf32>
    %reduce_sum3A = arith.constant dense<0.000000e+00> : vector<800xf32>
    %reduce_sum3A_9 = vector.multi_reduction <add>, %mul3A, %reduce_sum3A [1] : vector<800x256xf32> to vector<800xf32>
    %broadcast_in_dim3A = vector.shape_cast %reduce_sum3A_9 : vector<800xf32> to vector<800x1xf32>
    %reduce_sum3A_10 = arith.constant dense<0.000000e+00> : vector<1xf32>
    %reduce_sum3A_11 = vector.multi_reduction <add>, %broadcast_in_dim3A, %reduce_sum3A_10 [0] : vector<800x1xf32> to vector<1xf32>
    %broadcast_in_dim3A_12 = vector.shape_cast %reduce_sum3A_11 : vector<1xf32> to vector<1x1xf32>
    %swap3A = arith.constant 0 : index
    %swap3A_13 = arith.constant 0 : index
    %swap3A_14 = arith.constant 0 : index
    %swap3A_15 = vector.load %arg7[%swap3A, %swap3A_13, %swap3A_14] : memref<1x1x1xf32, #tpu.memory_space<vmem>>, vector<1x1x1xf32>
    %swap3A_16 = vector.shape_cast %swap3A_15 : vector<1x1x1xf32> to vector<1x1xf32>
    %swap3A_17 = vector.shape_cast %broadcast_in_dim3A_12 : vector<1x1xf32> to vector<1x1x1xf32>
    tpu.vector_store %arg7[%swap3A, %swap3A_13, %swap3A_14], %swap3A_17 {strides = array<i32>} : memref<1x1x1xf32, #tpu.memory_space<vmem>>, vector<1x1x1xf32>,
    %broadcast_in_dim3A_18 = arith.constant 0.000000e+00 : f32
    %broadcast_in_dim3A_19 = vector.broadcast %broadcast_in_dim3A_18 : f32 to vector<5x808x128xf32>
    %swap3A_20 = arith.constant 0 : index
    %swap3A_21 = arith.constant 0 : index
    %swap3A_22 = arith.constant 0 : index
    %swap3A_23 = vector.load %arg8[%swap3A_20, %swap3A_21, %swap3A_22] : memref<5x808x128xf32, #tpu.memory_space<vmem>>, vector<5x808x128xf32>
    tpu.vector_store %arg8[%swap3A_20, %swap3A_21, %swap3A_22], %broadcast_in_dim3A_19 {strides = array<i32>} : memref<5x808x128xf32, #tpu.memory_space<vmem>>, vector<5x808x128xf32>,
    %get3A_24 = arith.constant 0 : index
    %get3A_25 = arith.constant 0 : index
    %get3A_26 = vector.load %arg3[%get3A_24, %get3A_25] : memref<256x640xf32, #tpu.memory_space<vmem>>, vector<256x128xf32>
    %dot_general3A = arith.constant dense<0.000000e+00> : vector<800x128xf32>
    %dot_general3A_27 = tpu.matmul %get3A_3, %get3A_26, %dot_general3A {dimension_numbers = #tpu.dot_dimension_numbers<[1], [0], [0], [1], [0, 0, 1, 1], [], []>, transpose_lhs_hint = false} : vector<800x256xf32>, vector<256x128xf32>, vector<800x128xf32> -> vector<800x128xf32>
    %max3A = arith.constant 0.000000e+00 : f32
    %max3A_28 = vector.broadcast %max3A : f32 to vector<800x128xf32>
    %max3A_29 = arith.maximumf %dot_general3A_27, %max3A_28 : vector<800x128xf32>
    %swap3A_30 = arith.constant 0 : index
    %swap3A_31 = arith.constant 1 : index
    %swap3A_32 = arith.constant 0 : index
    %swap3A_33 = vector.load %arg8[%swap3A_30, %swap3A_31, %swap3A_32] : memref<5x808x128xf32, #tpu.memory_space<vmem>>, vector<1x800x128xf32>
    %swap3A_34 = vector.shape_cast %swap3A_33 : vector<1x800x128xf32> to vector<800x128xf32>
    %swap3A_35 = vector.shape_cast %max3A_29 : vector<800x128xf32> to vector<1x800x128xf32>
    tpu.vector_store %arg8[%swap3A_30, %swap3A_31, %swap3A_32], %swap3A_35 {strides = array<i32>} : memref<5x808x128xf32, #tpu.memory_space<vmem>>, vector<1x800x128xf32>,
    %get3A_36 = arith.constant 0 : index
    %get3A_37 = arith.constant 128 : index
    %get3A_38 = vector.load %arg3[%get3A_36, %get3A_37] : memref<256x640xf32, #tpu.memory_space<vmem>>, vector<256x128xf32>
    %dot_general3A_39 = arith.constant dense<0.000000e+00> : vector<800x128xf32>
    %dot_general3A_40 = tpu.matmul %get3A_3, %get3A_38, %dot_general3A_39 {dimension_numbers = #tpu.dot_dimension_numbers<[1], [0], [0], [1], [0, 0, 1, 1], [], []>, transpose_lhs_hint = false} : vector<800x256xf32>, vector<256x128xf32>, vector<800x128xf32> -> vector<800x128xf32>
    %max3A_41 = arith.constant 0.000000e+00 : f32
    %max3A_42 = vector.broadcast %max3A_41 : f32 to vector<800x128xf32>
    %max3A_43 = arith.maximumf %dot_general3A_40, %max3A_42 : vector<800x128xf32>
    %swap3A_44 = arith.constant 1 : index
    %swap3A_45 = arith.constant 1 : index
    %swap3A_46 = arith.constant 0 : index
    %swap3A_47 = vector.load %arg8[%swap3A_44, %swap3A_45, %swap3A_46] : memref<5x808x128xf32, #tpu.memory_space<vmem>>, vector<1x800x128xf32>
    %swap3A_48 = vector.shape_cast %swap3A_47 : vector<1x800x128xf32> to vector<800x128xf32>
    %swap3A_49 = vector.shape_cast %max3A_43 : vector<800x128xf32> to vector<1x800x128xf32>
    tpu.vector_store %arg8[%swap3A_44, %swap3A_45, %swap3A_46], %swap3A_49 {strides = array<i32>} : memref<5x808x128xf32, #tpu.memory_space<vmem>>, vector<1x800x128xf32>,
    %get3A_50 = arith.constant 0 : index
    %get3A_51 = arith.constant 256 : index
    %get3A_52 = vector.load %arg3[%get3A_50, %get3A_51] : memref<256x640xf32, #tpu.memory_space<vmem>>, vector<256x128xf32>
    %dot_general3A_53 = arith.constant dense<0.000000e+00> : vector<800x128xf32>
    %dot_general3A_54 = tpu.matmul %get3A_3, %get3A_52, %dot_general3A_53 {dimension_numbers = #tpu.dot_dimension_numbers<[1], [0], [0], [1], [0, 0, 1, 1], [], []>, transpose_lhs_hint = false} : vector<800x256xf32>, vector<256x128xf32>, vector<800x128xf32> -> vector<800x128xf32>
    %max3A_55 = arith.constant 0.000000e+00 : f32
    %max3A_56 = vector.broadcast %max3A_55 : f32 to vector<800x128xf32>
    %max3A_57 = arith.maximumf %dot_general3A_54, %max3A_56 : vector<800x128xf32>
    %swap3A_58 = arith.constant 2 : index
    %swap3A_59 = arith.constant 1 : index
    %swap3A_60 = arith.constant 0 : index
    %swap3A_61 = vector.load %arg8[%swap3A_58, %swap3A_59, %swap3A_60] : memref<5x808x128xf32, #tpu.memory_space<vmem>>, vector<1x800x128xf32>
    %swap3A_62 = vector.shape_cast %swap3A_61 : vector<1x800x128xf32> to vector<800x128xf32>
    %swap3A_63 = vector.shape_cast %max3A_57 : vector<800x128xf32> to vector<1x800x128xf32>
    tpu.vector_store %arg8[%swap3A_58, %swap3A_59, %swap3A_60], %swap3A_63 {strides = array<i32>} : memref<5x808x128xf32, #tpu.memory_space<vmem>>, vector<1x800x128xf32>,
    %get3A_64 = arith.constant 0 : index
    %get3A_65 = arith.constant 384 : index
    %get3A_66 = vector.load %arg3[%get3A_64, %get3A_65] : memref<256x640xf32, #tpu.memory_space<vmem>>, vector<256x128xf32>
    %dot_general3A_67 = arith.constant dense<0.000000e+00> : vector<800x128xf32>
    %dot_general3A_68 = tpu.matmul %get3A_3, %get3A_66, %dot_general3A_67 {dimension_numbers = #tpu.dot_dimension_numbers<[1], [0], [0], [1], [0, 0, 1, 1], [], []>, transpose_lhs_hint = false} : vector<800x256xf32>, vector<256x128xf32>, vector<800x128xf32> -> vector<800x128xf32>
    %max3A_69 = arith.constant 0.000000e+00 : f32
    %max3A_70 = vector.broadcast %max3A_69 : f32 to vector<800x128xf32>
    %max3A_71 = arith.maximumf %dot_general3A_68, %max3A_70 : vector<800x128xf32>
    %swap3A_72 = arith.constant 3 : index
    %swap3A_73 = arith.constant 1 : index
    %swap3A_74 = arith.constant 0 : index
    %swap3A_75 = vector.load %arg8[%swap3A_72, %swap3A_73, %swap3A_74] : memref<5x808x128xf32, #tpu.memory_space<vmem>>, vector<1x800x128xf32>
    %swap3A_76 = vector.shape_cast %swap3A_75 : vector<1x800x128xf32> to vector<800x128xf32>
    %swap3A_77 = vector.shape_cast %max3A_71 : vector<800x128xf32> to vector<1x800x128xf32>
    tpu.vector_store %arg8[%swap3A_72, %swap3A_73, %swap3A_74], %swap3A_77 {strides = array<i32>} : memref<5x808x128xf32, #tpu.memory_space<vmem>>, vector<1x800x128xf32>,
    %get3A_78 = arith.constant 0 : index
    %get3A_79 = arith.constant 512 : index
    %get3A_80 = vector.load %arg3[%get3A_78, %get3A_79] : memref<256x640xf32, #tpu.memory_space<vmem>>, vector<256x128xf32>
    %dot_general3A_81 = arith.constant dense<0.000000e+00> : vector<800x128xf32>
    %dot_general3A_82 = tpu.matmul %get3A_3, %get3A_80, %dot_general3A_81 {dimension_numbers = #tpu.dot_dimension_numbers<[1], [0], [0], [1], [0, 0, 1, 1], [], []>, transpose_lhs_hint = false} : vector<800x256xf32>, vector<256x128xf32>, vector<800x128xf32> -> vector<800x128xf32>
    %max3A_83 = arith.constant 0.000000e+00 : f32
    %max3A_84 = vector.broadcast %max3A_83 : f32 to vector<800x128xf32>
    %max3A_85 = arith.maximumf %dot_general3A_82, %max3A_84 : vector<800x128xf32>
    %swap3A_86 = arith.constant 4 : index
    %swap3A_87 = arith.constant 1 : index
    %swap3A_88 = arith.constant 0 : index
    %swap3A_89 = vector.load %arg8[%swap3A_86, %swap3A_87, %swap3A_88] : memref<5x808x128xf32, #tpu.memory_space<vmem>>, vector<1x800x128xf32>
    %swap3A_90 = vector.shape_cast %swap3A_89 : vector<1x800x128xf32> to vector<800x128xf32>
    %swap3A_91 = vector.shape_cast %max3A_85 : vector<800x128xf32> to vector<1x800x128xf32>
    tpu.vector_store %arg8[%swap3A_86, %swap3A_87, %swap3A_88], %swap3A_91 {strides = array<i32>} : memref<5x808x128xf32, #tpu.memory_space<vmem>>, vector<1x800x128xf32>,
    %broadcast_in_dim3A_92 = arith.constant 0.000000e+00 : f32
    %broadcast_in_dim3A_93 = vector.broadcast %broadcast_in_dim3A_92 : f32 to vector<5x808x64xf32>
    %swap3A_94 = arith.constant 0 : index
    %swap3A_95 = arith.constant 0 : index
    %swap3A_96 = arith.constant 0 : index
    %swap3A_97 = vector.load %arg9[%swap3A_94, %swap3A_95, %swap3A_96] : memref<5x808x64xf32, #tpu.memory_space<vmem>>, vector<5x808x64xf32>
    tpu.vector_store %arg9[%swap3A_94, %swap3A_95, %swap3A_96], %broadcast_in_dim3A_93 {strides = array<i32>} : memref<5x808x64xf32, #tpu.memory_space<vmem>>, vector<5x808x64xf32>,
    %broadcast_in_dim3A_98 = arith.constant 0.000000e+00 : f32
    %broadcast_in_dim3A_99 = vector.broadcast %broadcast_in_dim3A_98 : f32 to vector<800x64xf32>
    %get3A_100 = arith.constant 3 : index
    %get3A_101 = arith.constant 0 : index
    %get3A_102 = arith.constant 0 : index
    %get3A_103 = vector.load %arg8[%get3A_100, %get3A_101, %get3A_102] : memref<5x808x128xf32, #tpu.memory_space<vmem>>, vector<1x800x128xf32>
    %get3A_104 = vector.shape_cast %get3A_103 : vector<1x800x128xf32> to vector<800x128xf32>
    %get3A_105 = arith.constant 0 : index
    %get3A_106 = arith.constant 0 : index
    %get3A_107 = arith.constant 0 : index
    %get3A_108 = vector.load %arg4[%get3A_105, %get3A_106, %get3A_107] : memref<5x128x64xf32, #tpu.memory_space<vmem>>, vector<1x128x64xf32>
    %get3A_109 = vector.shape_cast %get3A_108 : vector<1x128x64xf32> to vector<128x64xf32>
    %dot_general3A_110 = arith.constant dense<0.000000e+00> : vector<800x64xf32>
    %dot_general3A_111 = tpu.matmul %get3A_104, %get3A_109, %dot_general3A_110 {dimension_numbers = #tpu.dot_dimension_numbers<[1], [0], [0], [1], [0, 0, 1, 1], [], []>, transpose_lhs_hint = false} : vector<800x128xf32>, vector<128x64xf32>, vector<800x64xf32> -> vector<800x64xf32>
    %add3A = arith.addf %broadcast_in_dim3A_99, %dot_general3A_111 : vector<800x64xf32>
    %get3A_112 = arith.constant 4 : index
    %get3A_113 = arith.constant 0 : index
    %get3A_114 = arith.constant 0 : index
    %get3A_115 = vector.load %arg8[%get3A_112, %get3A_113, %get3A_114] : memref<5x808x128xf32, #tpu.memory_space<vmem>>, vector<1x800x128xf32>
    %get3A_116 = vector.shape_cast %get3A_115 : vector<1x800x128xf32> to vector<800x128xf32>
    %get3A_117 = arith.constant 1 : index
    %get3A_118 = arith.constant 0 : index
    %get3A_119 = arith.constant 0 : index
    %get3A_120 = vector.load %arg4[%get3A_117, %get3A_118, %get3A_119] : memref<5x128x64xf32, #tpu.memory_space<vmem>>, vector<1x128x64xf32>
    %get3A_121 = vector.shape_cast %get3A_120 : vector<1x128x64xf32> to vector<128x64xf32>
    %dot_general3A_122 = arith.constant dense<0.000000e+00> : vector<800x64xf32>
    %dot_general3A_123 = tpu.matmul %get3A_116, %get3A_121, %dot_general3A_122 {dimension_numbers = #tpu.dot_dimension_numbers<[1], [0], [0], [1], [0, 0, 1, 1], [], []>, transpose_lhs_hint = false} : vector<800x128xf32>, vector<128x64xf32>, vector<800x64xf32> -> vector<800x64xf32>
    %add3A_124 = arith.addf %add3A, %dot_general3A_123 : vector<800x64xf32>
    %get3A_125 = arith.constant 0 : index
    %get3A_126 = arith.constant 1 : index
    %get3A_127 = arith.constant 0 : index
    %get3A_128 = vector.load %arg8[%get3A_125, %get3A_126, %get3A_127] : memref<5x808x128xf32, #tpu.memory_space<vmem>>, vector<1x800x128xf32>
    %get3A_129 = vector.shape_cast %get3A_128 : vector<1x800x128xf32> to vector<800x128xf32>
    %get3A_130 = arith.constant 2 : index
    %get3A_131 = arith.constant 0 : index
    %get3A_132 = arith.constant 0 : index
    %get3A_133 = vector.load %arg4[%get3A_130, %get3A_131, %get3A_132] : memref<5x128x64xf32, #tpu.memory_space<vmem>>, vector<1x128x64xf32>
    %get3A_134 = vector.shape_cast %get3A_133 : vector<1x128x64xf32> to vector<128x64xf32>
    %dot_general3A_135 = arith.constant dense<0.000000e+00> : vector<800x64xf32>
    %dot_general3A_136 = tpu.matmul %get3A_129, %get3A_134, %dot_general3A_135 {dimension_numbers = #tpu.dot_dimension_numbers<[1], [0], [0], [1], [0, 0, 1, 1], [], []>, transpose_lhs_hint = false} : vector<800x128xf32>, vector<128x64xf32>, vector<800x64xf32> -> vector<800x64xf32>
    %add3A_137 = arith.addf %add3A_124, %dot_general3A_136 : vector<800x64xf32>
    %get3A_138 = arith.constant 1 : index
    %get3A_139 = arith.constant 1 : index
    %get3A_140 = arith.constant 0 : index
    %get3A_141 = vector.load %arg8[%get3A_138, %get3A_139, %get3A_140] : memref<5x808x128xf32, #tpu.memory_space<vmem>>, vector<1x800x128xf32>
    %get3A_142 = vector.shape_cast %get3A_141 : vector<1x800x128xf32> to vector<800x128xf32>
    %get3A_143 = arith.constant 3 : index
    %get3A_144 = arith.constant 0 : index
    %get3A_145 = arith.constant 0 : index
    %get3A_146 = vector.load %arg4[%get3A_143, %get3A_144, %get3A_145] : memref<5x128x64xf32, #tpu.memory_space<vmem>>, vector<1x128x64xf32>
    %get3A_147 = vector.shape_cast %get3A_146 : vector<1x128x64xf32> to vector<128x64xf32>
    %dot_general3A_148 = arith.constant dense<0.000000e+00> : vector<800x64xf32>
    %dot_general3A_149 = tpu.matmul %get3A_142, %get3A_147, %dot_general3A_148 {dimension_numbers = #tpu.dot_dimension_numbers<[1], [0], [0], [1], [0, 0, 1, 1], [], []>, transpose_lhs_hint = false} : vector<800x128xf32>, vector<128x64xf32>, vector<800x64xf32> -> vector<800x64xf32>
    %add3A_150 = arith.addf %add3A_137, %dot_general3A_149 : vector<800x64xf32>
    %get3A_151 = arith.constant 2 : index
    %get3A_152 = arith.constant 1 : index
    %get3A_153 = arith.constant 0 : index
    %get3A_154 = vector.load %arg8[%get3A_151, %get3A_152, %get3A_153] : memref<5x808x128xf32, #tpu.memory_space<vmem>>, vector<1x800x128xf32>
    %get3A_155 = vector.shape_cast %get3A_154 : vector<1x800x128xf32> to vector<800x128xf32>
    %get3A_156 = arith.constant 4 : index
    %get3A_157 = arith.constant 0 : index
    %get3A_158 = arith.constant 0 : index
    %get3A_159 = vector.load %arg4[%get3A_156, %get3A_157, %get3A_158] : memref<5x128x64xf32, #tpu.memory_space<vmem>>, vector<1x128x64xf32>
    %get3A_160 = vector.shape_cast %get3A_159 : vector<1x128x64xf32> to vector<128x64xf32>
    %dot_general3A_161 = arith.constant dense<0.000000e+00> : vector<800x64xf32>
    %dot_general3A_162 = tpu.matmul %get3A_155, %get3A_160, %dot_general3A_161 {dimension_numbers = #tpu.dot_dimension_numbers<[1], [0], [0], [1], [0, 0, 1, 1], [], []>, transpose_lhs_hint = false} : vector<800x128xf32>, vector<128x64xf32>, vector<800x64xf32> -> vector<800x64xf32>
    %add3A_163 = arith.addf %add3A_150, %dot_general3A_162 : vector<800x64xf32>
    %max3A_164 = arith.constant 0.000000e+00 : f32
    %max3A_165 = vector.broadcast %max3A_164 : f32 to vector<800x64xf32>
    %max3A_166 = arith.maximumf %add3A_163, %max3A_165 : vector<800x64xf32>
    %swap3A_167 = arith.constant 0 : index
    %swap3A_168 = arith.constant 1 : index
    %swap3A_169 = arith.constant 0 : index
    %swap3A_170 = vector.load %arg9[%swap3A_167, %swap3A_168, %swap3A_169] : memref<5x808x64xf32, #tpu.memory_space<vmem>>, vector<1x800x64xf32>
    %swap3A_171 = vector.shape_cast %swap3A_170 : vector<1x800x64xf32> to vector<800x64xf32>
    %swap3A_172 = vector.shape_cast %max3A_166 : vector<800x64xf32> to vector<1x800x64xf32>
    tpu.vector_store %arg9[%swap3A_167, %swap3A_168, %swap3A_169], %swap3A_172 {strides = array<i32>} : memref<5x808x64xf32, #tpu.memory_space<vmem>>, vector<1x800x64xf32>,
    %broadcast_in_dim3A_173 = arith.constant 0.000000e+00 : f32
    %broadcast_in_dim3A_174 = vector.broadcast %broadcast_in_dim3A_173 : f32 to vector<800x64xf32>
    %get3A_175 = arith.constant 4 : index
    %get3A_176 = arith.constant 0 : index
    %get3A_177 = arith.constant 0 : index
    %get3A_178 = vector.load %arg8[%get3A_175, %get3A_176, %get3A_177] : memref<5x808x128xf32, #tpu.memory_space<vmem>>, vector<1x800x128xf32>
    %get3A_179 = vector.shape_cast %get3A_178 : vector<1x800x128xf32> to vector<800x128xf32>
    %get3A_180 = arith.constant 0 : index
    %get3A_181 = arith.constant 0 : index
    %get3A_182 = arith.constant 0 : index
    %get3A_183 = vector.load %arg4[%get3A_180, %get3A_181, %get3A_182] : memref<5x128x64xf32, #tpu.memory_space<vmem>>, vector<1x128x64xf32>
    %get3A_184 = vector.shape_cast %get3A_183 : vector<1x128x64xf32> to vector<128x64xf32>
    %dot_general3A_185 = arith.constant dense<0.000000e+00> : vector<800x64xf32>
    %dot_general3A_186 = tpu.matmul %get3A_179, %get3A_184, %dot_general3A_185 {dimension_numbers = #tpu.dot_dimension_numbers<[1], [0], [0], [1], [0, 0, 1, 1], [], []>, transpose_lhs_hint = false} : vector<800x128xf32>, vector<128x64xf32>, vector<800x64xf32> -> vector<800x64xf32>
    %add3A_187 = arith.addf %broadcast_in_dim3A_174, %dot_general3A_186 : vector<800x64xf32>
    %get3A_188 = arith.constant 0 : index
    %get3A_189 = arith.constant 1 : index
    %get3A_190 = arith.constant 0 : index
    %get3A_191 = vector.load %arg8[%get3A_188, %get3A_189, %get3A_190] : memref<5x808x128xf32, #tpu.memory_space<vmem>>, vector<1x800x128xf32>
    %get3A_192 = vector.shape_cast %get3A_191 : vector<1x800x128xf32> to vector<800x128xf32>
    %get3A_193 = arith.constant 1 : index
    %get3A_194 = arith.constant 0 : index
    %get3A_195 = arith.constant 0 : index
    %get3A_196 = vector.load %arg4[%get3A_193, %get3A_194, %get3A_195] : memref<5x128x64xf32, #tpu.memory_space<vmem>>, vector<1x128x64xf32>
    %get3A_197 = vector.shape_cast %get3A_196 : vector<1x128x64xf32> to vector<128x64xf32>
    %dot_general3A_198 = arith.constant dense<0.000000e+00> : vector<800x64xf32>
    %dot_general3A_199 = tpu.matmul %get3A_192, %get3A_197, %dot_general3A_198 {dimension_numbers = #tpu.dot_dimension_numbers<[1], [0], [0], [1], [0, 0, 1, 1], [], []>, transpose_lhs_hint = false} : vector<800x128xf32>, vector<128x64xf32>, vector<800x64xf32> -> vector<800x64xf32>
    %add3A_200 = arith.addf %add3A_187, %dot_general3A_199 : vector<800x64xf32>
    %get3A_201 = arith.constant 1 : index
    %get3A_202 = arith.constant 1 : index
    %get3A_203 = arith.constant 0 : index
    %get3A_204 = vector.load %arg8[%get3A_201, %get3A_202, %get3A_203] : memref<5x808x128xf32, #tpu.memory_space<vmem>>, vector<1x800x128xf32>
    %get3A_205 = vector.shape_cast %get3A_204 : vector<1x800x128xf32> to vector<800x128xf32>
    %get3A_206 = arith.constant 2 : index
    %get3A_207 = arith.constant 0 : index
    %get3A_208 = arith.constant 0 : index
    %get3A_209 = vector.load %arg4[%get3A_206, %get3A_207, %get3A_208] : memref<5x128x64xf32, #tpu.memory_space<vmem>>, vector<1x128x64xf32>
    %get3A_210 = vector.shape_cast %get3A_209 : vector<1x128x64xf32> to vector<128x64xf32>
    %dot_general3A_211 = arith.constant dense<0.000000e+00> : vector<800x64xf32>
    %dot_general3A_212 = tpu.matmul %get3A_205, %get3A_210, %dot_general3A_211 {dimension_numbers = #tpu.dot_dimension_numbers<[1], [0], [0], [1], [0, 0, 1, 1], [], []>, transpose_lhs_hint = false} : vector<800x128xf32>, vector<128x64xf32>, vector<800x64xf32> -> vector<800x64xf32>
    %add3A_213 = arith.addf %add3A_200, %dot_general3A_212 : vector<800x64xf32>
    %get3A_214 = arith.constant 2 : index
    %get3A_215 = arith.constant 1 : index
    %get3A_216 = arith.constant 0 : index
    %get3A_217 = vector.load %arg8[%get3A_214, %get3A_215, %get3A_216] : memref<5x808x128xf32, #tpu.memory_space<vmem>>, vector<1x800x128xf32>
    %get3A_218 = vector.shape_cast %get3A_217 : vector<1x800x128xf32> to vector<800x128xf32>
    %get3A_219 = arith.constant 3 : index
    %get3A_220 = arith.constant 0 : index
    %get3A_221 = arith.constant 0 : index
    %get3A_222 = vector.load %arg4[%get3A_219, %get3A_220, %get3A_221] : memref<5x128x64xf32, #tpu.memory_space<vmem>>, vector<1x128x64xf32>
    %get3A_223 = vector.shape_cast %get3A_222 : vector<1x128x64xf32> to vector<128x64xf32>
    %dot_general3A_224 = arith.constant dense<0.000000e+00> : vector<800x64xf32>
    %dot_general3A_225 = tpu.matmul %get3A_218, %get3A_223, %dot_general3A_224 {dimension_numbers = #tpu.dot_dimension_numbers<[1], [0], [0], [1], [0, 0, 1, 1], [], []>, transpose_lhs_hint = false} : vector<800x128xf32>, vector<128x64xf32>, vector<800x64xf32> -> vector<800x64xf32>
    %add3A_226 = arith.addf %add3A_213, %dot_general3A_225 : vector<800x64xf32>
    %get3A_227 = arith.constant 3 : index
    %get3A_228 = arith.constant 1 : index
    %get3A_229 = arith.constant 0 : index
    %get3A_230 = vector.load %arg8[%get3A_227, %get3A_228, %get3A_229] : memref<5x808x128xf32, #tpu.memory_space<vmem>>, vector<1x800x128xf32>
    %get3A_231 = vector.shape_cast %get3A_230 : vector<1x800x128xf32> to vector<800x128xf32>
    %get3A_232 = arith.constant 4 : index
    %get3A_233 = arith.constant 0 : index
    %get3A_234 = arith.constant 0 : index
    %get3A_235 = vector.load %arg4[%get3A_232, %get3A_233, %get3A_234] : memref<5x128x64xf32, #tpu.memory_space<vmem>>, vector<1x128x64xf32>
    %get3A_236 = vector.shape_cast %get3A_235 : vector<1x128x64xf32> to vector<128x64xf32>
    %dot_general3A_237 = arith.constant dense<0.000000e+00> : vector<800x64xf32>
    %dot_general3A_238 = tpu.matmul %get3A_231, %get3A_236, %dot_general3A_237 {dimension_numbers = #tpu.dot_dimension_numbers<[1], [0], [0], [1], [0, 0, 1, 1], [], []>, transpose_lhs_hint = false} : vector<800x128xf32>, vector<128x64xf32>, vector<800x64xf32> -> vector<800x64xf32>
    %add3A_239 = arith.addf %add3A_226, %dot_general3A_238 : vector<800x64xf32>
    %max3A_240 = arith.constant 0.000000e+00 : f32
    %max3A_241 = vector.broadcast %max3A_240 : f32 to vector<800x64xf32>
    %max3A_242 = arith.maximumf %add3A_239, %max3A_241 : vector<800x64xf32>
    %swap3A_243 = arith.constant 1 : index
    %swap3A_244 = arith.constant 1 : index
    %swap3A_245 = arith.constant 0 : index
    %swap3A_246 = vector.load %arg9[%swap3A_243, %swap3A_244, %swap3A_245] : memref<5x808x64xf32, #tpu.memory_space<vmem>>, vector<1x800x64xf32>
    %swap3A_247 = vector.shape_cast %swap3A_246 : vector<1x800x64xf32> to vector<800x64xf32>
    %swap3A_248 = vector.shape_cast %max3A_242 : vector<800x64xf32> to vector<1x800x64xf32>
    tpu.vector_store %arg9[%swap3A_243, %swap3A_244, %swap3A_245], %swap3A_248 {strides = array<i32>} : memref<5x808x64xf32, #tpu.memory_space<vmem>>, vector<1x800x64xf32>,
    %broadcast_in_dim3A_249 = arith.constant 0.000000e+00 : f32
    %broadcast_in_dim3A_250 = vector.broadcast %broadcast_in_dim3A_249 : f32 to vector<800x64xf32>
    %get3A_251 = arith.constant 0 : index
    %get3A_252 = arith.constant 1 : index
    %get3A_253 = arith.constant 0 : index
    %get3A_254 = vector.load %arg8[%get3A_251, %get3A_252, %get3A_253] : memref<5x808x128xf32, #tpu.memory_space<vmem>>, vector<1x800x128xf32>
    %get3A_255 = vector.shape_cast %get3A_254 : vector<1x800x128xf32> to vector<800x128xf32>
    %get3A_256 = arith.constant 0 : index
    %get3A_257 = arith.constant 0 : index
    %get3A_258 = arith.constant 0 : index
    %get3A_259 = vector.load %arg4[%get3A_256, %get3A_257, %get3A_258] : memref<5x128x64xf32, #tpu.memory_space<vmem>>, vector<1x128x64xf32>
    %get3A_260 = vector.shape_cast %get3A_259 : vector<1x128x64xf32> to vector<128x64xf32>
    %dot_general3A_261 = arith.constant dense<0.000000e+00> : vector<800x64xf32>
    %dot_general3A_262 = tpu.matmul %get3A_255, %get3A_260, %dot_general3A_261 {dimension_numbers = #tpu.dot_dimension_numbers<[1], [0], [0], [1], [0, 0, 1, 1], [], []>, transpose_lhs_hint = false} : vector<800x128xf32>, vector<128x64xf32>, vector<800x64xf32> -> vector<800x64xf32>
    %add3A_263 = arith.addf %broadcast_in_dim3A_250, %dot_general3A_262 : vector<800x64xf32>
    %get3A_264 = arith.constant 1 : index
    %get3A_265 = arith.constant 1 : index
    %get3A_266 = arith.constant 0 : index
    %get3A_267 = vector.load %arg8[%get3A_264, %get3A_265, %get3A_266] : memref<5x808x128xf32, #tpu.memory_space<vmem>>, vector<1x800x128xf32>
    %get3A_268 = vector.shape_cast %get3A_267 : vector<1x800x128xf32> to vector<800x128xf32>
    %get3A_269 = arith.constant 1 : index
    %get3A_270 = arith.constant 0 : index
    %get3A_271 = arith.constant 0 : index
    %get3A_272 = vector.load %arg4[%get3A_269, %get3A_270, %get3A_271] : memref<5x128x64xf32, #tpu.memory_space<vmem>>, vector<1x128x64xf32>
    %get3A_273 = vector.shape_cast %get3A_272 : vector<1x128x64xf32> to vector<128x64xf32>
    %dot_general3A_274 = arith.constant dense<0.000000e+00> : vector<800x64xf32>
    %dot_general3A_275 = tpu.matmul %get3A_268, %get3A_273, %dot_general3A_274 {dimension_numbers = #tpu.dot_dimension_numbers<[1], [0], [0], [1], [0, 0, 1, 1], [], []>, transpose_lhs_hint = false} : vector<800x128xf32>, vector<128x64xf32>, vector<800x64xf32> -> vector<800x64xf32>
    %add3A_276 = arith.addf %add3A_263, %dot_general3A_275 : vector<800x64xf32>
    %get3A_277 = arith.constant 2 : index
    %get3A_278 = arith.constant 1 : index
    %get3A_279 = arith.constant 0 : index
    %get3A_280 = vector.load %arg8[%get3A_277, %get3A_278, %get3A_279] : memref<5x808x128xf32, #tpu.memory_space<vmem>>, vector<1x800x128xf32>
    %get3A_281 = vector.shape_cast %get3A_280 : vector<1x800x128xf32> to vector<800x128xf32>
    %get3A_282 = arith.constant 2 : index
    %get3A_283 = arith.constant 0 : index
    %get3A_284 = arith.constant 0 : index
    %get3A_285 = vector.load %arg4[%get3A_282, %get3A_283, %get3A_284] : memref<5x128x64xf32, #tpu.memory_space<vmem>>, vector<1x128x64xf32>
    %get3A_286 = vector.shape_cast %get3A_285 : vector<1x128x64xf32> to vector<128x64xf32>
    %dot_general3A_287 = arith.constant dense<0.000000e+00> : vector<800x64xf32>
    %dot_general3A_288 = tpu.matmul %get3A_281, %get3A_286, %dot_general3A_287 {dimension_numbers = #tpu.dot_dimension_numbers<[1], [0], [0], [1], [0, 0, 1, 1], [], []>, transpose_lhs_hint = false} : vector<800x128xf32>, vector<128x64xf32>, vector<800x64xf32> -> vector<800x64xf32>
    %add3A_289 = arith.addf %add3A_276, %dot_general3A_288 : vector<800x64xf32>
    %get3A_290 = arith.constant 3 : index
    %get3A_291 = arith.constant 1 : index
    %get3A_292 = arith.constant 0 : index
    %get3A_293 = vector.load %arg8[%get3A_290, %get3A_291, %get3A_292] : memref<5x808x128xf32, #tpu.memory_space<vmem>>, vector<1x800x128xf32>
    %get3A_294 = vector.shape_cast %get3A_293 : vector<1x800x128xf32> to vector<800x128xf32>
    %get3A_295 = arith.constant 3 : index
    %get3A_296 = arith.constant 0 : index
    %get3A_297 = arith.constant 0 : index
    %get3A_298 = vector.load %arg4[%get3A_295, %get3A_296, %get3A_297] : memref<5x128x64xf32, #tpu.memory_space<vmem>>, vector<1x128x64xf32>
    %get3A_299 = vector.shape_cast %get3A_298 : vector<1x128x64xf32> to vector<128x64xf32>
    %dot_general3A_300 = arith.constant dense<0.000000e+00> : vector<800x64xf32>
    %dot_general3A_301 = tpu.matmul %get3A_294, %get3A_299, %dot_general3A_300 {dimension_numbers = #tpu.dot_dimension_numbers<[1], [0], [0], [1], [0, 0, 1, 1], [], []>, transpose_lhs_hint = false} : vector<800x128xf32>, vector<128x64xf32>, vector<800x64xf32> -> vector<800x64xf32>
    %add3A_302 = arith.addf %add3A_289, %dot_general3A_301 : vector<800x64xf32>
    %get3A_303 = arith.constant 4 : index
    %get3A_304 = arith.constant 1 : index
    %get3A_305 = arith.constant 0 : index
    %get3A_306 = vector.load %arg8[%get3A_303, %get3A_304, %get3A_305] : memref<5x808x128xf32, #tpu.memory_space<vmem>>, vector<1x800x128xf32>
    %get3A_307 = vector.shape_cast %get3A_306 : vector<1x800x128xf32> to vector<800x128xf32>
    %get3A_308 = arith.constant 4 : index
    %get3A_309 = arith.constant 0 : index
    %get3A_310 = arith.constant 0 : index
    %get3A_311 = vector.load %arg4[%get3A_308, %get3A_309, %get3A_310] : memref<5x128x64xf32, #tpu.memory_space<vmem>>, vector<1x128x64xf32>
    %get3A_312 = vector.shape_cast %get3A_311 : vector<1x128x64xf32> to vector<128x64xf32>
    %dot_general3A_313 = arith.constant dense<0.000000e+00> : vector<800x64xf32>
    %dot_general3A_314 = tpu.matmul %get3A_307, %get3A_312, %dot_general3A_313 {dimension_numbers = #tpu.dot_dimension_numbers<[1], [0], [0], [1], [0, 0, 1, 1], [], []>, transpose_lhs_hint = false} : vector<800x128xf32>, vector<128x64xf32>, vector<800x64xf32> -> vector<800x64xf32>
    %add3A_315 = arith.addf %add3A_302, %dot_general3A_314 : vector<800x64xf32>
    %max3A_316 = arith.constant 0.000000e+00 : f32
    %max3A_317 = vector.broadcast %max3A_316 : f32 to vector<800x64xf32>
    %max3A_318 = arith.maximumf %add3A_315, %max3A_317 : vector<800x64xf32>
    %swap3A_319 = arith.constant 2 : index
    %swap3A_320 = arith.constant 1 : index
    %swap3A_321 = arith.constant 0 : index
    %swap3A_322 = vector.load %arg9[%swap3A_319, %swap3A_320, %swap3A_321] : memref<5x808x64xf32, #tpu.memory_space<vmem>>, vector<1x800x64xf32>
    %swap3A_323 = vector.shape_cast %swap3A_322 : vector<1x800x64xf32> to vector<800x64xf32>
    %swap3A_324 = vector.shape_cast %max3A_318 : vector<800x64xf32> to vector<1x800x64xf32>
    tpu.vector_store %arg9[%swap3A_319, %swap3A_320, %swap3A_321], %swap3A_324 {strides = array<i32>} : memref<5x808x64xf32, #tpu.memory_space<vmem>>, vector<1x800x64xf32>,
    %broadcast_in_dim3A_325 = arith.constant 0.000000e+00 : f32
    %broadcast_in_dim3A_326 = vector.broadcast %broadcast_in_dim3A_325 : f32 to vector<800x64xf32>
    %get3A_327 = arith.constant 1 : index
    %get3A_328 = arith.constant 1 : index
    %get3A_329 = arith.constant 0 : index
    %get3A_330 = vector.load %arg8[%get3A_327, %get3A_328, %get3A_329] : memref<5x808x128xf32, #tpu.memory_space<vmem>>, vector<1x800x128xf32>
    %get3A_331 = vector.shape_cast %get3A_330 : vector<1x800x128xf32> to vector<800x128xf32>
    %get3A_332 = arith.constant 0 : index
    %get3A_333 = arith.constant 0 : index
    %get3A_334 = arith.constant 0 : index
    %get3A_335 = vector.load %arg4[%get3A_332, %get3A_333, %get3A_334] : memref<5x128x64xf32, #tpu.memory_space<vmem>>, vector<1x128x64xf32>
    %get3A_336 = vector.shape_cast %get3A_335 : vector<1x128x64xf32> to vector<128x64xf32>
    %dot_general3A_337 = arith.constant dense<0.000000e+00> : vector<800x64xf32>
    %dot_general3A_338 = tpu.matmul %get3A_331, %get3A_336, %dot_general3A_337 {dimension_numbers = #tpu.dot_dimension_numbers<[1], [0], [0], [1], [0, 0, 1, 1], [], []>, transpose_lhs_hint = false} : vector<800x128xf32>, vector<128x64xf32>, vector<800x64xf32> -> vector<800x64xf32>
    %add3A_339 = arith.addf %broadcast_in_dim3A_326, %dot_general3A_338 : vector<800x64xf32>
    %get3A_340 = arith.constant 2 : index
    %get3A_341 = arith.constant 1 : index
    %get3A_342 = arith.constant 0 : index
    %get3A_343 = vector.load %arg8[%get3A_340, %get3A_341, %get3A_342] : memref<5x808x128xf32, #tpu.memory_space<vmem>>, vector<1x800x128xf32>
    %get3A_344 = vector.shape_cast %get3A_343 : vector<1x800x128xf32> to vector<800x128xf32>
    %get3A_345 = arith.constant 1 : index
    %get3A_346 = arith.constant 0 : index
    %get3A_347 = arith.constant 0 : index
    %get3A_348 = vector.load %arg4[%get3A_345, %get3A_346, %get3A_347] : memref<5x128x64xf32, #tpu.memory_space<vmem>>, vector<1x128x64xf32>
    %get3A_349 = vector.shape_cast %get3A_348 : vector<1x128x64xf32> to vector<128x64xf32>
    %dot_general3A_350 = arith.constant dense<0.000000e+00> : vector<800x64xf32>
    %dot_general3A_351 = tpu.matmul %get3A_344, %get3A_349, %dot_general3A_350 {dimension_numbers = #tpu.dot_dimension_numbers<[1], [0], [0], [1], [0, 0, 1, 1], [], []>, transpose_lhs_hint = false} : vector<800x128xf32>, vector<128x64xf32>, vector<800x64xf32> -> vector<800x64xf32>
    %add3A_352 = arith.addf %add3A_339, %dot_general3A_351 : vector<800x64xf32>
    %get3A_353 = arith.constant 3 : index
    %get3A_354 = arith.constant 1 : index
    %get3A_355 = arith.constant 0 : index
    %get3A_356 = vector.load %arg8[%get3A_353, %get3A_354, %get3A_355] : memref<5x808x128xf32, #tpu.memory_space<vmem>>, vector<1x800x128xf32>
    %get3A_357 = vector.shape_cast %get3A_356 : vector<1x800x128xf32> to vector<800x128xf32>
    %get3A_358 = arith.constant 2 : index
    %get3A_359 = arith.constant 0 : index
    %get3A_360 = arith.constant 0 : index
    %get3A_361 = vector.load %arg4[%get3A_358, %get3A_359, %get3A_360] : memref<5x128x64xf32, #tpu.memory_space<vmem>>, vector<1x128x64xf32>
    %get3A_362 = vector.shape_cast %get3A_361 : vector<1x128x64xf32> to vector<128x64xf32>
    %dot_general3A_363 = arith.constant dense<0.000000e+00> : vector<800x64xf32>
    %dot_general3A_364 = tpu.matmul %get3A_357, %get3A_362, %dot_general3A_363 {dimension_numbers = #tpu.dot_dimension_numbers<[1], [0], [0], [1], [0, 0, 1, 1], [], []>, transpose_lhs_hint = false} : vector<800x128xf32>, vector<128x64xf32>, vector<800x64xf32> -> vector<800x64xf32>
    %add3A_365 = arith.addf %add3A_352, %dot_general3A_364 : vector<800x64xf32>
    %get3A_366 = arith.constant 4 : index
    %get3A_367 = arith.constant 1 : index
    %get3A_368 = arith.constant 0 : index
    %get3A_369 = vector.load %arg8[%get3A_366, %get3A_367, %get3A_368] : memref<5x808x128xf32, #tpu.memory_space<vmem>>, vector<1x800x128xf32>
    %get3A_370 = vector.shape_cast %get3A_369 : vector<1x800x128xf32> to vector<800x128xf32>
    %get3A_371 = arith.constant 3 : index
    %get3A_372 = arith.constant 0 : index
    %get3A_373 = arith.constant 0 : index
    %get3A_374 = vector.load %arg4[%get3A_371, %get3A_372, %get3A_373] : memref<5x128x64xf32, #tpu.memory_space<vmem>>, vector<1x128x64xf32>
    %get3A_375 = vector.shape_cast %get3A_374 : vector<1x128x64xf32> to vector<128x64xf32>
    %dot_general3A_376 = arith.constant dense<0.000000e+00> : vector<800x64xf32>
    %dot_general3A_377 = tpu.matmul %get3A_370, %get3A_375, %dot_general3A_376 {dimension_numbers = #tpu.dot_dimension_numbers<[1], [0], [0], [1], [0, 0, 1, 1], [], []>, transpose_lhs_hint = false} : vector<800x128xf32>, vector<128x64xf32>, vector<800x64xf32> -> vector<800x64xf32>
    %add3A_378 = arith.addf %add3A_365, %dot_general3A_377 : vector<800x64xf32>
    %get3A_379 = arith.constant 0 : index
    %get3A_380 = arith.constant 2 : index
    %get3A_381 = arith.constant 0 : index
    %get3A_382 = vector.load %arg8[%get3A_379, %get3A_380, %get3A_381] : memref<5x808x128xf32, #tpu.memory_space<vmem>>, vector<1x800x128xf32>
    %get3A_383 = vector.shape_cast %get3A_382 : vector<1x800x128xf32> to vector<800x128xf32>
    %get3A_384 = arith.constant 4 : index
    %get3A_385 = arith.constant 0 : index
    %get3A_386 = arith.constant 0 : index
    %get3A_387 = vector.load %arg4[%get3A_384, %get3A_385, %get3A_386] : memref<5x128x64xf32, #tpu.memory_space<vmem>>, vector<1x128x64xf32>
    %get3A_388 = vector.shape_cast %get3A_387 : vector<1x128x64xf32> to vector<128x64xf32>
    %dot_general3A_389 = arith.constant dense<0.000000e+00> : vector<800x64xf32>
    %dot_general3A_390 = tpu.matmul %get3A_383, %get3A_388, %dot_general3A_389 {dimension_numbers = #tpu.dot_dimension_numbers<[1], [0], [0], [1], [0, 0, 1, 1], [], []>, transpose_lhs_hint = false} : vector<800x128xf32>, vector<128x64xf32>, vector<800x64xf32> -> vector<800x64xf32>
    %add3A_391 = arith.addf %add3A_378, %dot_general3A_390 : vector<800x64xf32>
    %max3A_392 = arith.constant 0.000000e+00 : f32
    %max3A_393 = vector.broadcast %max3A_392 : f32 to vector<800x64xf32>
    %max3A_394 = arith.maximumf %add3A_391, %max3A_393 : vector<800x64xf32>
    %swap3A_395 = arith.constant 3 : index
    %swap3A_396 = arith.constant 1 : index
    %swap3A_397 = arith.constant 0 : index
    %swap3A_398 = vector.load %arg9[%swap3A_395, %swap3A_396, %swap3A_397] : memref<5x808x64xf32, #tpu.memory_space<vmem>>, vector<1x800x64xf32>
    %swap3A_399 = vector.shape_cast %swap3A_398 : vector<1x800x64xf32> to vector<800x64xf32>
    %swap3A_400 = vector.shape_cast %max3A_394 : vector<800x64xf32> to vector<1x800x64xf32>
    tpu.vector_store %arg9[%swap3A_395, %swap3A_396, %swap3A_397], %swap3A_400 {strides = array<i32>} : memref<5x808x64xf32, #tpu.memory_space<vmem>>, vector<1x800x64xf32>,
    %broadcast_in_dim3A_401 = arith.constant 0.000000e+00 : f32
    %broadcast_in_dim3A_402 = vector.broadcast %broadcast_in_dim3A_401 : f32 to vector<800x64xf32>
    %get3A_403 = arith.constant 2 : index
    %get3A_404 = arith.constant 1 : index
    %get3A_405 = arith.constant 0 : index
    %get3A_406 = vector.load %arg8[%get3A_403, %get3A_404, %get3A_405] : memref<5x808x128xf32, #tpu.memory_space<vmem>>, vector<1x800x128xf32>
    %get3A_407 = vector.shape_cast %get3A_406 : vector<1x800x128xf32> to vector<800x128xf32>
    %get3A_408 = arith.constant 0 : index
    %get3A_409 = arith.constant 0 : index
    %get3A_410 = arith.constant 0 : index
    %get3A_411 = vector.load %arg4[%get3A_408, %get3A_409, %get3A_410] : memref<5x128x64xf32, #tpu.memory_space<vmem>>, vector<1x128x64xf32>
    %get3A_412 = vector.shape_cast %get3A_411 : vector<1x128x64xf32> to vector<128x64xf32>
    %dot_general3A_413 = arith.constant dense<0.000000e+00> : vector<800x64xf32>
    %dot_general3A_414 = tpu.matmul %get3A_407, %get3A_412, %dot_general3A_413 {dimension_numbers = #tpu.dot_dimension_numbers<[1], [0], [0], [1], [0, 0, 1, 1], [], []>, transpose_lhs_hint = false} : vector<800x128xf32>, vector<128x64xf32>, vector<800x64xf32> -> vector<800x64xf32>
    %add3A_415 = arith.addf %broadcast_in_dim3A_402, %dot_general3A_414 : vector<800x64xf32>
    %get3A_416 = arith.constant 3 : index
    %get3A_417 = arith.constant 1 : index
    %get3A_418 = arith.constant 0 : index
    %get3A_419 = vector.load %arg8[%get3A_416, %get3A_417, %get3A_418] : memref<5x808x128xf32, #tpu.memory_space<vmem>>, vector<1x800x128xf32>
    %get3A_420 = vector.shape_cast %get3A_419 : vector<1x800x128xf32> to vector<800x128xf32>
    %get3A_421 = arith.constant 1 : index
    %get3A_422 = arith.constant 0 : index
    %get3A_423 = arith.constant 0 : index
    %get3A_424 = vector.load %arg4[%get3A_421, %get3A_422, %get3A_423] : memref<5x128x64xf32, #tpu.memory_space<vmem>>, vector<1x128x64xf32>
    %get3A_425 = vector.shape_cast %get3A_424 : vector<1x128x64xf32> to vector<128x64xf32>
    %dot_general3A_426 = arith.constant dense<0.000000e+00> : vector<800x64xf32>
    %dot_general3A_427 = tpu.matmul %get3A_420, %get3A_425, %dot_general3A_426 {dimension_numbers = #tpu.dot_dimension_numbers<[1], [0], [0], [1], [0, 0, 1, 1], [], []>, transpose_lhs_hint = false} : vector<800x128xf32>, vector<128x64xf32>, vector<800x64xf32> -> vector<800x64xf32>
    %add3A_428 = arith.addf %add3A_415, %dot_general3A_427 : vector<800x64xf32>
    %get3A_429 = arith.constant 4 : index
    %get3A_430 = arith.constant 1 : index
    %get3A_431 = arith.constant 0 : index
    %get3A_432 = vector.load %arg8[%get3A_429, %get3A_430, %get3A_431] : memref<5x808x128xf32, #tpu.memory_space<vmem>>, vector<1x800x128xf32>
    %get3A_433 = vector.shape_cast %get3A_432 : vector<1x800x128xf32> to vector<800x128xf32>
    %get3A_434 = arith.constant 2 : index
    %get3A_435 = arith.constant 0 : index
    %get3A_436 = arith.constant 0 : index
    %get3A_437 = vector.load %arg4[%get3A_434, %get3A_435, %get3A_436] : memref<5x128x64xf32, #tpu.memory_space<vmem>>, vector<1x128x64xf32>
    %get3A_438 = vector.shape_cast %get3A_437 : vector<1x128x64xf32> to vector<128x64xf32>
    %dot_general3A_439 = arith.constant dense<0.000000e+00> : vector<800x64xf32>
    %dot_general3A_440 = tpu.matmul %get3A_433, %get3A_438, %dot_general3A_439 {dimension_numbers = #tpu.dot_dimension_numbers<[1], [0], [0], [1], [0, 0, 1, 1], [], []>, transpose_lhs_hint = false} : vector<800x128xf32>, vector<128x64xf32>, vector<800x64xf32> -> vector<800x64xf32>
    %add3A_441 = arith.addf %add3A_428, %dot_general3A_440 : vector<800x64xf32>
    %get3A_442 = arith.constant 0 : index
    %get3A_443 = arith.constant 2 : index
    %get3A_444 = arith.constant 0 : index
    %get3A_445 = vector.load %arg8[%get3A_442, %get3A_443, %get3A_444] : memref<5x808x128xf32, #tpu.memory_space<vmem>>, vector<1x800x128xf32>
    %get3A_446 = vector.shape_cast %get3A_445 : vector<1x800x128xf32> to vector<800x128xf32>
    %get3A_447 = arith.constant 3 : index
    %get3A_448 = arith.constant 0 : index
    %get3A_449 = arith.constant 0 : index
    %get3A_450 = vector.load %arg4[%get3A_447, %get3A_448, %get3A_449] : memref<5x128x64xf32, #tpu.memory_space<vmem>>, vector<1x128x64xf32>
    %get3A_451 = vector.shape_cast %get3A_450 : vector<1x128x64xf32> to vector<128x64xf32>
    %dot_general3A_452 = arith.constant dense<0.000000e+00> : vector<800x64xf32>
    %dot_general3A_453 = tpu.matmul %get3A_446, %get3A_451, %dot_general3A_452 {dimension_numbers = #tpu.dot_dimension_numbers<[1], [0], [0], [1], [0, 0, 1, 1], [], []>, transpose_lhs_hint = false} : vector<800x128xf32>, vector<128x64xf32>, vector<800x64xf32> -> vector<800x64xf32>
    %add3A_454 = arith.addf %add3A_441, %dot_general3A_453 : vector<800x64xf32>
    %get3A_455 = arith.constant 1 : index
    %get3A_456 = arith.constant 2 : index
    %get3A_457 = arith.constant 0 : index
    %get3A_458 = vector.load %arg8[%get3A_455, %get3A_456, %get3A_457] : memref<5x808x128xf32, #tpu.memory_space<vmem>>, vector<1x800x128xf32>
    %get3A_459 = vector.shape_cast %get3A_458 : vector<1x800x128xf32> to vector<800x128xf32>
    %get3A_460 = arith.constant 4 : index
    %get3A_461 = arith.constant 0 : index
    %get3A_462 = arith.constant 0 : index
    %get3A_463 = vector.load %arg4[%get3A_460, %get3A_461, %get3A_462] : memref<5x128x64xf32, #tpu.memory_space<vmem>>, vector<1x128x64xf32>
    %get3A_464 = vector.shape_cast %get3A_463 : vector<1x128x64xf32> to vector<128x64xf32>
    %dot_general3A_465 = arith.constant dense<0.000000e+00> : vector<800x64xf32>
    %dot_general3A_466 = tpu.matmul %get3A_459, %get3A_464, %dot_general3A_465 {dimension_numbers = #tpu.dot_dimension_numbers<[1], [0], [0], [1], [0, 0, 1, 1], [], []>, transpose_lhs_hint = false} : vector<800x128xf32>, vector<128x64xf32>, vector<800x64xf32> -> vector<800x64xf32>
    %add3A_467 = arith.addf %add3A_454, %dot_general3A_466 : vector<800x64xf32>
    %max3A_468 = arith.constant 0.000000e+00 : f32
    %max3A_469 = vector.broadcast %max3A_468 : f32 to vector<800x64xf32>
    %max3A_470 = arith.maximumf %add3A_467, %max3A_469 : vector<800x64xf32>
    %swap3A_471 = arith.constant 4 : index
    %swap3A_472 = arith.constant 1 : index
    %swap3A_473 = arith.constant 0 : index
    %swap3A_474 = vector.load %arg9[%swap3A_471, %swap3A_472, %swap3A_473] : memref<5x808x64xf32, #tpu.memory_space<vmem>>, vector<1x800x64xf32>
    %swap3A_475 = vector.shape_cast %swap3A_474 : vector<1x800x64xf32> to vector<800x64xf32>
    %swap3A_476 = vector.shape_cast %max3A_470 : vector<800x64xf32> to vector<1x800x64xf32>
    tpu.vector_store %arg9[%swap3A_471, %swap3A_472, %swap3A_473], %swap3A_476 {strides = array<i32>} : memref<5x808x64xf32, #tpu.memory_space<vmem>>, vector<1x800x64xf32>,
    %broadcast_in_dim3A_477 = arith.constant 0.000000e+00 : f32
    %broadcast_in_dim3A_478 = vector.broadcast %broadcast_in_dim3A_477 : f32 to vector<800x1xf32>
    %get3A_479 = arith.constant 1 : index
    %get3A_480 = arith.constant 0 : index
    %get3A_481 = arith.constant 0 : index
    %get3A_482 = vector.load %arg9[%get3A_479, %get3A_480, %get3A_481] : memref<5x808x64xf32, #tpu.memory_space<vmem>>, vector<1x800x64xf32>
    %get3A_483 = vector.shape_cast %get3A_482 : vector<1x800x64xf32> to vector<800x64xf32>
    %get3A_484 = arith.constant 0 : index
    %get3A_485 = arith.constant 0 : index
    %get3A_486 = vector.load %arg5[%get3A_484, %get3A_485] : memref<9x64xf32, #tpu.memory_space<vmem>>, vector<1x64xf32>
    %mul3A_487 = vector.broadcast %get3A_486 : vector<1x64xf32> to vector<800x64xf32>
    %mul3A_488 = arith.mulf %get3A_483, %mul3A_487 : vector<800x64xf32>
    %reduce_sum3A_489 = arith.constant dense<0.000000e+00> : vector<800xf32>
    %reduce_sum3A_490 = vector.multi_reduction <add>, %mul3A_488, %reduce_sum3A_489 [1] : vector<800x64xf32> to vector<800xf32>
    %broadcast_in_dim3A_491 = vector.shape_cast %reduce_sum3A_490 : vector<800xf32> to vector<800x1xf32>
    %add3A_492 = arith.addf %broadcast_in_dim3A_478, %broadcast_in_dim3A_491 : vector<800x1xf32>
    %get3A_493 = arith.constant 2 : index
    %get3A_494 = arith.constant 0 : index
    %get3A_495 = arith.constant 0 : index
    %get3A_496 = vector.load %arg9[%get3A_493, %get3A_494, %get3A_495] : memref<5x808x64xf32, #tpu.memory_space<vmem>>, vector<1x800x64xf32>
    %get3A_497 = vector.shape_cast %get3A_496 : vector<1x800x64xf32> to vector<800x64xf32>
    %get3A_498 = arith.constant 1 : index
    %get3A_499 = arith.constant 0 : index
    %get3A_500 = vector.load %arg5[%get3A_498, %get3A_499] : memref<9x64xf32, #tpu.memory_space<vmem>>, vector<1x64xf32>
    %mul3A_501 = vector.broadcast %get3A_500 : vector<1x64xf32> to vector<800x64xf32>
    %mul3A_502 = arith.mulf %get3A_497, %mul3A_501 : vector<800x64xf32>
    %reduce_sum3A_503 = arith.constant dense<0.000000e+00> : vector<800xf32>
    %reduce_sum3A_504 = vector.multi_reduction <add>, %mul3A_502, %reduce_sum3A_503 [1] : vector<800x64xf32> to vector<800xf32>
    %broadcast_in_dim3A_505 = vector.shape_cast %reduce_sum3A_504 : vector<800xf32> to vector<800x1xf32>
    %add3A_506 = arith.addf %add3A_492, %broadcast_in_dim3A_505 : vector<800x1xf32>
    %get3A_507 = arith.constant 3 : index
    %get3A_508 = arith.constant 0 : index
    %get3A_509 = arith.constant 0 : index
    %get3A_510 = vector.load %arg9[%get3A_507, %get3A_508, %get3A_509] : memref<5x808x64xf32, #tpu.memory_space<vmem>>, vector<1x800x64xf32>
    %get3A_511 = vector.shape_cast %get3A_510 : vector<1x800x64xf32> to vector<800x64xf32>
    %get3A_512 = arith.constant 2 : index
    %get3A_513 = arith.constant 0 : index
    %get3A_514 = vector.load %arg5[%get3A_512, %get3A_513] : memref<9x64xf32, #tpu.memory_space<vmem>>, vector<1x64xf32>
    %mul3A_515 = vector.broadcast %get3A_514 : vector<1x64xf32> to vector<800x64xf32>
    %mul3A_516 = arith.mulf %get3A_511, %mul3A_515 : vector<800x64xf32>
    %reduce_sum3A_517 = arith.constant dense<0.000000e+00> : vector<800xf32>
    %reduce_sum3A_518 = vector.multi_reduction <add>, %mul3A_516, %reduce_sum3A_517 [1] : vector<800x64xf32> to vector<800xf32>
    %broadcast_in_dim3A_519 = vector.shape_cast %reduce_sum3A_518 : vector<800xf32> to vector<800x1xf32>
    %add3A_520 = arith.addf %add3A_506, %broadcast_in_dim3A_519 : vector<800x1xf32>
    %get3A_521 = arith.constant 4 : index
    %get3A_522 = arith.constant 0 : index
    %get3A_523 = arith.constant 0 : index
    %get3A_524 = vector.load %arg9[%get3A_521, %get3A_522, %get3A_523] : memref<5x808x64xf32, #tpu.memory_space<vmem>>, vector<1x800x64xf32>
    %get3A_525 = vector.shape_cast %get3A_524 : vector<1x800x64xf32> to vector<800x64xf32>
    %get3A_526 = arith.constant 3 : index
    %get3A_527 = arith.constant 0 : index
    %get3A_528 = vector.load %arg5[%get3A_526, %get3A_527] : memref<9x64xf32, #tpu.memory_space<vmem>>, vector<1x64xf32>
    %mul3A_529 = vector.broadcast %get3A_528 : vector<1x64xf32> to vector<800x64xf32>
    %mul3A_530 = arith.mulf %get3A_525, %mul3A_529 : vector<800x64xf32>
    %reduce_sum3A_531 = arith.constant dense<0.000000e+00> : vector<800xf32>
    %reduce_sum3A_532 = vector.multi_reduction <add>, %mul3A_530, %reduce_sum3A_531 [1] : vector<800x64xf32> to vector<800xf32>
    %broadcast_in_dim3A_533 = vector.shape_cast %reduce_sum3A_532 : vector<800xf32> to vector<800x1xf32>
    %add3A_534 = arith.addf %add3A_520, %broadcast_in_dim3A_533 : vector<800x1xf32>
    %get3A_535 = arith.constant 0 : index
    %get3A_536 = arith.constant 1 : index
    %get3A_537 = arith.constant 0 : index
    %get3A_538 = vector.load %arg9[%get3A_535, %get3A_536, %get3A_537] : memref<5x808x64xf32, #tpu.memory_space<vmem>>, vector<1x800x64xf32>
    %get3A_539 = vector.shape_cast %get3A_538 : vector<1x800x64xf32> to vector<800x64xf32>
    %get3A_540 = arith.constant 4 : index
    %get3A_541 = arith.constant 0 : index
    %get3A_542 = vector.load %arg5[%get3A_540, %get3A_541] : memref<9x64xf32, #tpu.memory_space<vmem>>, vector<1x64xf32>
    %mul3A_543 = vector.broadcast %get3A_542 : vector<1x64xf32> to vector<800x64xf32>
    %mul3A_544 = arith.mulf %get3A_539, %mul3A_543 : vector<800x64xf32>
    %reduce_sum3A_545 = arith.constant dense<0.000000e+00> : vector<800xf32>
    %reduce_sum3A_546 = vector.multi_reduction <add>, %mul3A_544, %reduce_sum3A_545 [1] : vector<800x64xf32> to vector<800xf32>
    %broadcast_in_dim3A_547 = vector.shape_cast %reduce_sum3A_546 : vector<800xf32> to vector<800x1xf32>
    %add3A_548 = arith.addf %add3A_534, %broadcast_in_dim3A_547 : vector<800x1xf32>
    %get3A_549 = arith.constant 1 : index
    %get3A_550 = arith.constant 1 : index
    %get3A_551 = arith.constant 0 : index
    %get3A_552 = vector.load %arg9[%get3A_549, %get3A_550, %get3A_551] : memref<5x808x64xf32, #tpu.memory_space<vmem>>, vector<1x800x64xf32>
    %get3A_553 = vector.shape_cast %get3A_552 : vector<1x800x64xf32> to vector<800x64xf32>
    %get3A_554 = arith.constant 5 : index
    %get3A_555 = arith.constant 0 : index
    %get3A_556 = vector.load %arg5[%get3A_554, %get3A_555] : memref<9x64xf32, #tpu.memory_space<vmem>>, vector<1x64xf32>
    %mul3A_557 = vector.broadcast %get3A_556 : vector<1x64xf32> to vector<800x64xf32>
    %mul3A_558 = arith.mulf %get3A_553, %mul3A_557 : vector<800x64xf32>
    %reduce_sum3A_559 = arith.constant dense<0.000000e+00> : vector<800xf32>
    %reduce_sum3A_560 = vector.multi_reduction <add>, %mul3A_558, %reduce_sum3A_559 [1] : vector<800x64xf32> to vector<800xf32>
    %broadcast_in_dim3A_561 = vector.shape_cast %reduce_sum3A_560 : vector<800xf32> to vector<800x1xf32>
    %add3A_562 = arith.addf %add3A_548, %broadcast_in_dim3A_561 : vector<800x1xf32>
    %get3A_563 = arith.constant 2 : index
    %get3A_564 = arith.constant 1 : index
    %get3A_565 = arith.constant 0 : index
    %get3A_566 = vector.load %arg9[%get3A_563, %get3A_564, %get3A_565] : memref<5x808x64xf32, #tpu.memory_space<vmem>>, vector<1x800x64xf32>
    %get3A_567 = vector.shape_cast %get3A_566 : vector<1x800x64xf32> to vector<800x64xf32>
    %get3A_568 = arith.constant 6 : index
    %get3A_569 = arith.constant 0 : index
    %get3A_570 = vector.load %arg5[%get3A_568, %get3A_569] : memref<9x64xf32, #tpu.memory_space<vmem>>, vector<1x64xf32>
    %mul3A_571 = vector.broadcast %get3A_570 : vector<1x64xf32> to vector<800x64xf32>
    %mul3A_572 = arith.mulf %get3A_567, %mul3A_571 : vector<800x64xf32>
    %reduce_sum3A_573 = arith.constant dense<0.000000e+00> : vector<800xf32>
    %reduce_sum3A_574 = vector.multi_reduction <add>, %mul3A_572, %reduce_sum3A_573 [1] : vector<800x64xf32> to vector<800xf32>
    %broadcast_in_dim3A_575 = vector.shape_cast %reduce_sum3A_574 : vector<800xf32> to vector<800x1xf32>
    %add3A_576 = arith.addf %add3A_562, %broadcast_in_dim3A_575 : vector<800x1xf32>
    %get3A_577 = arith.constant 3 : index
    %get3A_578 = arith.constant 1 : index
    %get3A_579 = arith.constant 0 : index
    %get3A_580 = vector.load %arg9[%get3A_577, %get3A_578, %get3A_579] : memref<5x808x64xf32, #tpu.memory_space<vmem>>, vector<1x800x64xf32>
    %get3A_581 = vector.shape_cast %get3A_580 : vector<1x800x64xf32> to vector<800x64xf32>
    %get3A_582 = arith.constant 7 : index
    %get3A_583 = arith.constant 0 : index
    %get3A_584 = vector.load %arg5[%get3A_582, %get3A_583] : memref<9x64xf32, #tpu.memory_space<vmem>>, vector<1x64xf32>
    %mul3A_585 = vector.broadcast %get3A_584 : vector<1x64xf32> to vector<800x64xf32>
    %mul3A_586 = arith.mulf %get3A_581, %mul3A_585 : vector<800x64xf32>
    %reduce_sum3A_587 = arith.constant dense<0.000000e+00> : vector<800xf32>
    %reduce_sum3A_588 = vector.multi_reduction <add>, %mul3A_586, %reduce_sum3A_587 [1] : vector<800x64xf32> to vector<800xf32>
    %broadcast_in_dim3A_589 = vector.shape_cast %reduce_sum3A_588 : vector<800xf32> to vector<800x1xf32>
    %add3A_590 = arith.addf %add3A_576, %broadcast_in_dim3A_589 : vector<800x1xf32>
    %get3A_591 = arith.constant 4 : index
    %get3A_592 = arith.constant 1 : index
    %get3A_593 = arith.constant 0 : index
    %get3A_594 = vector.load %arg9[%get3A_591, %get3A_592, %get3A_593] : memref<5x808x64xf32, #tpu.memory_space<vmem>>, vector<1x800x64xf32>
    %get3A_595 = vector.shape_cast %get3A_594 : vector<1x800x64xf32> to vector<800x64xf32>
    %get3A_596 = arith.constant 8 : index
    %get3A_597 = arith.constant 0 : index
    %get3A_598 = vector.load %arg5[%get3A_596, %get3A_597] : memref<9x64xf32, #tpu.memory_space<vmem>>, vector<1x64xf32>
    %mul3A_599 = vector.broadcast %get3A_598 : vector<1x64xf32> to vector<800x64xf32>
    %mul3A_600 = arith.mulf %get3A_595, %mul3A_599 : vector<800x64xf32>
    %reduce_sum3A_601 = arith.constant dense<0.000000e+00> : vector<800xf32>
    %reduce_sum3A_602 = vector.multi_reduction <add>, %mul3A_600, %reduce_sum3A_601 [1] : vector<800x64xf32> to vector<800xf32>
    %broadcast_in_dim3A_603 = vector.shape_cast %reduce_sum3A_602 : vector<800xf32> to vector<800x1xf32>
    %add3A_604 = arith.addf %add3A_590, %broadcast_in_dim3A_603 : vector<800x1xf32>
    %broadcast_in_dim3A_605 = arith.constant 0.000000e+00 : f32
    %broadcast_in_dim3A_606 = vector.broadcast %broadcast_in_dim3A_605 : f32 to vector<800x1xf32>
    %get3A_607 = arith.constant 2 : index
    %get3A_608 = arith.constant 0 : index
    %get3A_609 = arith.constant 0 : index
    %get3A_610 = vector.load %arg9[%get3A_607, %get3A_608, %get3A_609] : memref<5x808x64xf32, #tpu.memory_space<vmem>>, vector<1x800x64xf32>
    %get3A_611 = vector.shape_cast %get3A_610 : vector<1x800x64xf32> to vector<800x64xf32>
    %get3A_612 = arith.constant 0 : index
    %get3A_613 = arith.constant 0 : index
    %get3A_614 = vector.load %arg5[%get3A_612, %get3A_613] : memref<9x64xf32, #tpu.memory_space<vmem>>, vector<1x64xf32>
    %mul3A_615 = vector.broadcast %get3A_614 : vector<1x64xf32> to vector<800x64xf32>
    %mul3A_616 = arith.mulf %get3A_611, %mul3A_615 : vector<800x64xf32>
    %reduce_sum3A_617 = arith.constant dense<0.000000e+00> : vector<800xf32>
    %reduce_sum3A_618 = vector.multi_reduction <add>, %mul3A_616, %reduce_sum3A_617 [1] : vector<800x64xf32> to vector<800xf32>
    %broadcast_in_dim3A_619 = vector.shape_cast %reduce_sum3A_618 : vector<800xf32> to vector<800x1xf32>
    %add3A_620 = arith.addf %broadcast_in_dim3A_606, %broadcast_in_dim3A_619 : vector<800x1xf32>
    %get3A_621 = arith.constant 3 : index
    %get3A_622 = arith.constant 0 : index
    %get3A_623 = arith.constant 0 : index
    %get3A_624 = vector.load %arg9[%get3A_621, %get3A_622, %get3A_623] : memref<5x808x64xf32, #tpu.memory_space<vmem>>, vector<1x800x64xf32>
    %get3A_625 = vector.shape_cast %get3A_624 : vector<1x800x64xf32> to vector<800x64xf32>
    %get3A_626 = arith.constant 1 : index
    %get3A_627 = arith.constant 0 : index
    %get3A_628 = vector.load %arg5[%get3A_626, %get3A_627] : memref<9x64xf32, #tpu.memory_space<vmem>>, vector<1x64xf32>
    %mul3A_629 = vector.broadcast %get3A_628 : vector<1x64xf32> to vector<800x64xf32>
    %mul3A_630 = arith.mulf %get3A_625, %mul3A_629 : vector<800x64xf32>
    %reduce_sum3A_631 = arith.constant dense<0.000000e+00> : vector<800xf32>
    %reduce_sum3A_632 = vector.multi_reduction <add>, %mul3A_630, %reduce_sum3A_631 [1] : vector<800x64xf32> to vector<800xf32>
    %broadcast_in_dim3A_633 = vector.shape_cast %reduce_sum3A_632 : vector<800xf32> to vector<800x1xf32>
    %add3A_634 = arith.addf %add3A_620, %broadcast_in_dim3A_633 : vector<800x1xf32>
    %get3A_635 = arith.constant 4 : index
    %get3A_636 = arith.constant 0 : index
    %get3A_637 = arith.constant 0 : index
    %get3A_638 = vector.load %arg9[%get3A_635, %get3A_636, %get3A_637] : memref<5x808x64xf32, #tpu.memory_space<vmem>>, vector<1x800x64xf32>
    %get3A_639 = vector.shape_cast %get3A_638 : vector<1x800x64xf32> to vector<800x64xf32>
    %get3A_640 = arith.constant 2 : index
    %get3A_641 = arith.constant 0 : index
    %get3A_642 = vector.load %arg5[%get3A_640, %get3A_641] : memref<9x64xf32, #tpu.memory_space<vmem>>, vector<1x64xf32>
    %mul3A_643 = vector.broadcast %get3A_642 : vector<1x64xf32> to vector<800x64xf32>
    %mul3A_644 = arith.mulf %get3A_639, %mul3A_643 : vector<800x64xf32>
    %reduce_sum3A_645 = arith.constant dense<0.000000e+00> : vector<800xf32>
    %reduce_sum3A_646 = vector.multi_reduction <add>, %mul3A_644, %reduce_sum3A_645 [1] : vector<800x64xf32> to vector<800xf32>
    %broadcast_in_dim3A_647 = vector.shape_cast %reduce_sum3A_646 : vector<800xf32> to vector<800x1xf32>
    %add3A_648 = arith.addf %add3A_634, %broadcast_in_dim3A_647 : vector<800x1xf32>
    %get3A_649 = arith.constant 0 : index
    %get3A_650 = arith.constant 1 : index
    %get3A_651 = arith.constant 0 : index
    %get3A_652 = vector.load %arg9[%get3A_649, %get3A_650, %get3A_651] : memref<5x808x64xf32, #tpu.memory_space<vmem>>, vector<1x800x64xf32>
    %get3A_653 = vector.shape_cast %get3A_652 : vector<1x800x64xf32> to vector<800x64xf32>
    %get3A_654 = arith.constant 3 : index
    %get3A_655 = arith.constant 0 : index
    %get3A_656 = vector.load %arg5[%get3A_654, %get3A_655] : memref<9x64xf32, #tpu.memory_space<vmem>>, vector<1x64xf32>
    %mul3A_657 = vector.broadcast %get3A_656 : vector<1x64xf32> to vector<800x64xf32>
    %mul3A_658 = arith.mulf %get3A_653, %mul3A_657 : vector<800x64xf32>
    %reduce_sum3A_659 = arith.constant dense<0.000000e+00> : vector<800xf32>
    %reduce_sum3A_660 = vector.multi_reduction <add>, %mul3A_658, %reduce_sum3A_659 [1] : vector<800x64xf32> to vector<800xf32>
    %broadcast_in_dim3A_661 = vector.shape_cast %reduce_sum3A_660 : vector<800xf32> to vector<800x1xf32>
    %add3A_662 = arith.addf %add3A_648, %broadcast_in_dim3A_661 : vector<800x1xf32>
    %get3A_663 = arith.constant 1 : index
    %get3A_664 = arith.constant 1 : index
    %get3A_665 = arith.constant 0 : index
    %get3A_666 = vector.load %arg9[%get3A_663, %get3A_664, %get3A_665] : memref<5x808x64xf32, #tpu.memory_space<vmem>>, vector<1x800x64xf32>
    %get3A_667 = vector.shape_cast %get3A_666 : vector<1x800x64xf32> to vector<800x64xf32>
    %get3A_668 = arith.constant 4 : index
    %get3A_669 = arith.constant 0 : index
    %get3A_670 = vector.load %arg5[%get3A_668, %get3A_669] : memref<9x64xf32, #tpu.memory_space<vmem>>, vector<1x64xf32>
    %mul3A_671 = vector.broadcast %get3A_670 : vector<1x64xf32> to vector<800x64xf32>
    %mul3A_672 = arith.mulf %get3A_667, %mul3A_671 : vector<800x64xf32>
    %reduce_sum3A_673 = arith.constant dense<0.000000e+00> : vector<800xf32>
    %reduce_sum3A_674 = vector.multi_reduction <add>, %mul3A_672, %reduce_sum3A_673 [1] : vector<800x64xf32> to vector<800xf32>
    %broadcast_in_dim3A_675 = vector.shape_cast %reduce_sum3A_674 : vector<800xf32> to vector<800x1xf32>
    %add3A_676 = arith.addf %add3A_662, %broadcast_in_dim3A_675 : vector<800x1xf32>
    %get3A_677 = arith.constant 2 : index
    %get3A_678 = arith.constant 1 : index
    %get3A_679 = arith.constant 0 : index
    %get3A_680 = vector.load %arg9[%get3A_677, %get3A_678, %get3A_679] : memref<5x808x64xf32, #tpu.memory_space<vmem>>, vector<1x800x64xf32>
    %get3A_681 = vector.shape_cast %get3A_680 : vector<1x800x64xf32> to vector<800x64xf32>
    %get3A_682 = arith.constant 5 : index
    %get3A_683 = arith.constant 0 : index
    %get3A_684 = vector.load %arg5[%get3A_682, %get3A_683] : memref<9x64xf32, #tpu.memory_space<vmem>>, vector<1x64xf32>
    %mul3A_685 = vector.broadcast %get3A_684 : vector<1x64xf32> to vector<800x64xf32>
    %mul3A_686 = arith.mulf %get3A_681, %mul3A_685 : vector<800x64xf32>
    %reduce_sum3A_687 = arith.constant dense<0.000000e+00> : vector<800xf32>
    %reduce_sum3A_688 = vector.multi_reduction <add>, %mul3A_686, %reduce_sum3A_687 [1] : vector<800x64xf32> to vector<800xf32>
    %broadcast_in_dim3A_689 = vector.shape_cast %reduce_sum3A_688 : vector<800xf32> to vector<800x1xf32>
    %add3A_690 = arith.addf %add3A_676, %broadcast_in_dim3A_689 : vector<800x1xf32>
    %get3A_691 = arith.constant 3 : index
    %get3A_692 = arith.constant 1 : index
    %get3A_693 = arith.constant 0 : index
    %get3A_694 = vector.load %arg9[%get3A_691, %get3A_692, %get3A_693] : memref<5x808x64xf32, #tpu.memory_space<vmem>>, vector<1x800x64xf32>
    %get3A_695 = vector.shape_cast %get3A_694 : vector<1x800x64xf32> to vector<800x64xf32>
    %get3A_696 = arith.constant 6 : index
    %get3A_697 = arith.constant 0 : index
    %get3A_698 = vector.load %arg5[%get3A_696, %get3A_697] : memref<9x64xf32, #tpu.memory_space<vmem>>, vector<1x64xf32>
    %mul3A_699 = vector.broadcast %get3A_698 : vector<1x64xf32> to vector<800x64xf32>
    %mul3A_700 = arith.mulf %get3A_695, %mul3A_699 : vector<800x64xf32>
    %reduce_sum3A_701 = arith.constant dense<0.000000e+00> : vector<800xf32>
    %reduce_sum3A_702 = vector.multi_reduction <add>, %mul3A_700, %reduce_sum3A_701 [1] : vector<800x64xf32> to vector<800xf32>
    %broadcast_in_dim3A_703 = vector.shape_cast %reduce_sum3A_702 : vector<800xf32> to vector<800x1xf32>
    %add3A_704 = arith.addf %add3A_690, %broadcast_in_dim3A_703 : vector<800x1xf32>
    %get3A_705 = arith.constant 4 : index
    %get3A_706 = arith.constant 1 : index
    %get3A_707 = arith.constant 0 : index
    %get3A_708 = vector.load %arg9[%get3A_705, %get3A_706, %get3A_707] : memref<5x808x64xf32, #tpu.memory_space<vmem>>, vector<1x800x64xf32>
    %get3A_709 = vector.shape_cast %get3A_708 : vector<1x800x64xf32> to vector<800x64xf32>
    %get3A_710 = arith.constant 7 : index
    %get3A_711 = arith.constant 0 : index
    %get3A_712 = vector.load %arg5[%get3A_710, %get3A_711] : memref<9x64xf32, #tpu.memory_space<vmem>>, vector<1x64xf32>
    %mul3A_713 = vector.broadcast %get3A_712 : vector<1x64xf32> to vector<800x64xf32>
    %mul3A_714 = arith.mulf %get3A_709, %mul3A_713 : vector<800x64xf32>
    %reduce_sum3A_715 = arith.constant dense<0.000000e+00> : vector<800xf32>
    %reduce_sum3A_716 = vector.multi_reduction <add>, %mul3A_714, %reduce_sum3A_715 [1] : vector<800x64xf32> to vector<800xf32>
    %broadcast_in_dim3A_717 = vector.shape_cast %reduce_sum3A_716 : vector<800xf32> to vector<800x1xf32>
    %add3A_718 = arith.addf %add3A_704, %broadcast_in_dim3A_717 : vector<800x1xf32>
    %get3A_719 = arith.constant 0 : index
    %get3A_720 = arith.constant 2 : index
    %get3A_721 = arith.constant 0 : index
    %get3A_722 = vector.load %arg9[%get3A_719, %get3A_720, %get3A_721] : memref<5x808x64xf32, #tpu.memory_space<vmem>>, vector<1x800x64xf32>
    %get3A_723 = vector.shape_cast %get3A_722 : vector<1x800x64xf32> to vector<800x64xf32>
    %get3A_724 = arith.constant 8 : index
    %get3A_725 = arith.constant 0 : index
    %get3A_726 = vector.load %arg5[%get3A_724, %get3A_725] : memref<9x64xf32, #tpu.memory_space<vmem>>, vector<1x64xf32>
    %mul3A_727 = vector.broadcast %get3A_726 : vector<1x64xf32> to vector<800x64xf32>
    %mul3A_728 = arith.mulf %get3A_723, %mul3A_727 : vector<800x64xf32>
    %reduce_sum3A_729 = arith.constant dense<0.000000e+00> : vector<800xf32>
    %reduce_sum3A_730 = vector.multi_reduction <add>, %mul3A_728, %reduce_sum3A_729 [1] : vector<800x64xf32> to vector<800xf32>
    %broadcast_in_dim3A_731 = vector.shape_cast %reduce_sum3A_730 : vector<800xf32> to vector<800x1xf32>
    %add3A_732 = arith.addf %add3A_718, %broadcast_in_dim3A_731 : vector<800x1xf32>
    %broadcast_in_dim3A_733 = arith.constant 0.000000e+00 : f32
    %broadcast_in_dim3A_734 = vector.broadcast %broadcast_in_dim3A_733 : f32 to vector<800x1xf32>
    %get3A_735 = arith.constant 3 : index
    %get3A_736 = arith.constant 0 : index
    %get3A_737 = arith.constant 0 : index
    %get3A_738 = vector.load %arg9[%get3A_735, %get3A_736, %get3A_737] : memref<5x808x64xf32, #tpu.memory_space<vmem>>, vector<1x800x64xf32>
    %get3A_739 = vector.shape_cast %get3A_738 : vector<1x800x64xf32> to vector<800x64xf32>
    %get3A_740 = arith.constant 0 : index
    %get3A_741 = arith.constant 0 : index
    %get3A_742 = vector.load %arg5[%get3A_740, %get3A_741] : memref<9x64xf32, #tpu.memory_space<vmem>>, vector<1x64xf32>
    %mul3A_743 = vector.broadcast %get3A_742 : vector<1x64xf32> to vector<800x64xf32>
    %mul3A_744 = arith.mulf %get3A_739, %mul3A_743 : vector<800x64xf32>
    %reduce_sum3A_745 = arith.constant dense<0.000000e+00> : vector<800xf32>
    %reduce_sum3A_746 = vector.multi_reduction <add>, %mul3A_744, %reduce_sum3A_745 [1] : vector<800x64xf32> to vector<800xf32>
    %broadcast_in_dim3A_747 = vector.shape_cast %reduce_sum3A_746 : vector<800xf32> to vector<800x1xf32>
    %add3A_748 = arith.addf %broadcast_in_dim3A_734, %broadcast_in_dim3A_747 : vector<800x1xf32>
    %get3A_749 = arith.constant 4 : index
    %get3A_750 = arith.constant 0 : index
    %get3A_751 = arith.constant 0 : index
    %get3A_752 = vector.load %arg9[%get3A_749, %get3A_750, %get3A_751] : memref<5x808x64xf32, #tpu.memory_space<vmem>>, vector<1x800x64xf32>
    %get3A_753 = vector.shape_cast %get3A_752 : vector<1x800x64xf32> to vector<800x64xf32>
    %get3A_754 = arith.constant 1 : index
    %get3A_755 = arith.constant 0 : index
    %get3A_756 = vector.load %arg5[%get3A_754, %get3A_755] : memref<9x64xf32, #tpu.memory_space<vmem>>, vector<1x64xf32>
    %mul3A_757 = vector.broadcast %get3A_756 : vector<1x64xf32> to vector<800x64xf32>
    %mul3A_758 = arith.mulf %get3A_753, %mul3A_757 : vector<800x64xf32>
    %reduce_sum3A_759 = arith.constant dense<0.000000e+00> : vector<800xf32>
    %reduce_sum3A_760 = vector.multi_reduction <add>, %mul3A_758, %reduce_sum3A_759 [1] : vector<800x64xf32> to vector<800xf32>
    %broadcast_in_dim3A_761 = vector.shape_cast %reduce_sum3A_760 : vector<800xf32> to vector<800x1xf32>
    %add3A_762 = arith.addf %add3A_748, %broadcast_in_dim3A_761 : vector<800x1xf32>
    %get3A_763 = arith.constant 0 : index
    %get3A_764 = arith.constant 1 : index
    %get3A_765 = arith.constant 0 : index
    %get3A_766 = vector.load %arg9[%get3A_763, %get3A_764, %get3A_765] : memref<5x808x64xf32, #tpu.memory_space<vmem>>, vector<1x800x64xf32>
    %get3A_767 = vector.shape_cast %get3A_766 : vector<1x800x64xf32> to vector<800x64xf32>
    %get3A_768 = arith.constant 2 : index
    %get3A_769 = arith.constant 0 : index
    %get3A_770 = vector.load %arg5[%get3A_768, %get3A_769] : memref<9x64xf32, #tpu.memory_space<vmem>>, vector<1x64xf32>
    %mul3A_771 = vector.broadcast %get3A_770 : vector<1x64xf32> to vector<800x64xf32>
    %mul3A_772 = arith.mulf %get3A_767, %mul3A_771 : vector<800x64xf32>
    %reduce_sum3A_773 = arith.constant dense<0.000000e+00> : vector<800xf32>
    %reduce_sum3A_774 = vector.multi_reduction <add>, %mul3A_772, %reduce_sum3A_773 [1] : vector<800x64xf32> to vector<800xf32>
    %broadcast_in_dim3A_775 = vector.shape_cast %reduce_sum3A_774 : vector<800xf32> to vector<800x1xf32>
    %add3A_776 = arith.addf %add3A_762, %broadcast_in_dim3A_775 : vector<800x1xf32>
    %get3A_777 = arith.constant 1 : index
    %get3A_778 = arith.constant 1 : index
    %get3A_779 = arith.constant 0 : index
    %get3A_780 = vector.load %arg9[%get3A_777, %get3A_778, %get3A_779] : memref<5x808x64xf32, #tpu.memory_space<vmem>>, vector<1x800x64xf32>
    %get3A_781 = vector.shape_cast %get3A_780 : vector<1x800x64xf32> to vector<800x64xf32>
    %get3A_782 = arith.constant 3 : index
    %get3A_783 = arith.constant 0 : index
    %get3A_784 = vector.load %arg5[%get3A_782, %get3A_783] : memref<9x64xf32, #tpu.memory_space<vmem>>, vector<1x64xf32>
    %mul3A_785 = vector.broadcast %get3A_784 : vector<1x64xf32> to vector<800x64xf32>
    %mul3A_786 = arith.mulf %get3A_781, %mul3A_785 : vector<800x64xf32>
    %reduce_sum3A_787 = arith.constant dense<0.000000e+00> : vector<800xf32>
    %reduce_sum3A_788 = vector.multi_reduction <add>, %mul3A_786, %reduce_sum3A_787 [1] : vector<800x64xf32> to vector<800xf32>
    %broadcast_in_dim3A_789 = vector.shape_cast %reduce_sum3A_788 : vector<800xf32> to vector<800x1xf32>
    %add3A_790 = arith.addf %add3A_776, %broadcast_in_dim3A_789 : vector<800x1xf32>
    %get3A_791 = arith.constant 2 : index
    %get3A_792 = arith.constant 1 : index
    %get3A_793 = arith.constant 0 : index
    %get3A_794 = vector.load %arg9[%get3A_791, %get3A_792, %get3A_793] : memref<5x808x64xf32, #tpu.memory_space<vmem>>, vector<1x800x64xf32>
    %get3A_795 = vector.shape_cast %get3A_794 : vector<1x800x64xf32> to vector<800x64xf32>
    %get3A_796 = arith.constant 4 : index
    %get3A_797 = arith.constant 0 : index
    %get3A_798 = vector.load %arg5[%get3A_796, %get3A_797] : memref<9x64xf32, #tpu.memory_space<vmem>>, vector<1x64xf32>
    %mul3A_799 = vector.broadcast %get3A_798 : vector<1x64xf32> to vector<800x64xf32>
    %mul3A_800 = arith.mulf %get3A_795, %mul3A_799 : vector<800x64xf32>
    %reduce_sum3A_801 = arith.constant dense<0.000000e+00> : vector<800xf32>
    %reduce_sum3A_802 = vector.multi_reduction <add>, %mul3A_800, %reduce_sum3A_801 [1] : vector<800x64xf32> to vector<800xf32>
    %broadcast_in_dim3A_803 = vector.shape_cast %reduce_sum3A_802 : vector<800xf32> to vector<800x1xf32>
    %add3A_804 = arith.addf %add3A_790, %broadcast_in_dim3A_803 : vector<800x1xf32>
    %get3A_805 = arith.constant 3 : index
    %get3A_806 = arith.constant 1 : index
    %get3A_807 = arith.constant 0 : index
    %get3A_808 = vector.load %arg9[%get3A_805, %get3A_806, %get3A_807] : memref<5x808x64xf32, #tpu.memory_space<vmem>>, vector<1x800x64xf32>
    %get3A_809 = vector.shape_cast %get3A_808 : vector<1x800x64xf32> to vector<800x64xf32>
    %get3A_810 = arith.constant 5 : index
    %get3A_811 = arith.constant 0 : index
    %get3A_812 = vector.load %arg5[%get3A_810, %get3A_811] : memref<9x64xf32, #tpu.memory_space<vmem>>, vector<1x64xf32>
    %mul3A_813 = vector.broadcast %get3A_812 : vector<1x64xf32> to vector<800x64xf32>
    %mul3A_814 = arith.mulf %get3A_809, %mul3A_813 : vector<800x64xf32>
    %reduce_sum3A_815 = arith.constant dense<0.000000e+00> : vector<800xf32>
    %reduce_sum3A_816 = vector.multi_reduction <add>, %mul3A_814, %reduce_sum3A_815 [1] : vector<800x64xf32> to vector<800xf32>
    %broadcast_in_dim3A_817 = vector.shape_cast %reduce_sum3A_816 : vector<800xf32> to vector<800x1xf32>
    %add3A_818 = arith.addf %add3A_804, %broadcast_in_dim3A_817 : vector<800x1xf32>
    %get3A_819 = arith.constant 4 : index
    %get3A_820 = arith.constant 1 : index
    %get3A_821 = arith.constant 0 : index
    %get3A_822 = vector.load %arg9[%get3A_819, %get3A_820, %get3A_821] : memref<5x808x64xf32, #tpu.memory_space<vmem>>, vector<1x800x64xf32>
    %get3A_823 = vector.shape_cast %get3A_822 : vector<1x800x64xf32> to vector<800x64xf32>
    %get3A_824 = arith.constant 6 : index
    %get3A_825 = arith.constant 0 : index
    %get3A_826 = vector.load %arg5[%get3A_824, %get3A_825] : memref<9x64xf32, #tpu.memory_space<vmem>>, vector<1x64xf32>
    %mul3A_827 = vector.broadcast %get3A_826 : vector<1x64xf32> to vector<800x64xf32>
    %mul3A_828 = arith.mulf %get3A_823, %mul3A_827 : vector<800x64xf32>
    %reduce_sum3A_829 = arith.constant dense<0.000000e+00> : vector<800xf32>
    %reduce_sum3A_830 = vector.multi_reduction <add>, %mul3A_828, %reduce_sum3A_829 [1] : vector<800x64xf32> to vector<800xf32>
    %broadcast_in_dim3A_831 = vector.shape_cast %reduce_sum3A_830 : vector<800xf32> to vector<800x1xf32>
    %add3A_832 = arith.addf %add3A_818, %broadcast_in_dim3A_831 : vector<800x1xf32>
    %get3A_833 = arith.constant 0 : index
    %get3A_834 = arith.constant 2 : index
    %get3A_835 = arith.constant 0 : index
    %get3A_836 = vector.load %arg9[%get3A_833, %get3A_834, %get3A_835] : memref<5x808x64xf32, #tpu.memory_space<vmem>>, vector<1x800x64xf32>
    %get3A_837 = vector.shape_cast %get3A_836 : vector<1x800x64xf32> to vector<800x64xf32>
    %get3A_838 = arith.constant 7 : index
    %get3A_839 = arith.constant 0 : index
    %get3A_840 = vector.load %arg5[%get3A_838, %get3A_839] : memref<9x64xf32, #tpu.memory_space<vmem>>, vector<1x64xf32>
    %mul3A_841 = vector.broadcast %get3A_840 : vector<1x64xf32> to vector<800x64xf32>
    %mul3A_842 = arith.mulf %get3A_837, %mul3A_841 : vector<800x64xf32>
    %reduce_sum3A_843 = arith.constant dense<0.000000e+00> : vector<800xf32>
    %reduce_sum3A_844 = vector.multi_reduction <add>, %mul3A_842, %reduce_sum3A_843 [1] : vector<800x64xf32> to vector<800xf32>
    %broadcast_in_dim3A_845 = vector.shape_cast %reduce_sum3A_844 : vector<800xf32> to vector<800x1xf32>
    %add3A_846 = arith.addf %add3A_832, %broadcast_in_dim3A_845 : vector<800x1xf32>
    %get3A_847 = arith.constant 1 : index
    %get3A_848 = arith.constant 2 : index
    %get3A_849 = arith.constant 0 : index
    %get3A_850 = vector.load %arg9[%get3A_847, %get3A_848, %get3A_849] : memref<5x808x64xf32, #tpu.memory_space<vmem>>, vector<1x800x64xf32>
    %get3A_851 = vector.shape_cast %get3A_850 : vector<1x800x64xf32> to vector<800x64xf32>
    %get3A_852 = arith.constant 8 : index
    %get3A_853 = arith.constant 0 : index
    %get3A_854 = vector.load %arg5[%get3A_852, %get3A_853] : memref<9x64xf32, #tpu.memory_space<vmem>>, vector<1x64xf32>
    %mul3A_855 = vector.broadcast %get3A_854 : vector<1x64xf32> to vector<800x64xf32>
    %mul3A_856 = arith.mulf %get3A_851, %mul3A_855 : vector<800x64xf32>
    %reduce_sum3A_857 = arith.constant dense<0.000000e+00> : vector<800xf32>
    %reduce_sum3A_858 = vector.multi_reduction <add>, %mul3A_856, %reduce_sum3A_857 [1] : vector<800x64xf32> to vector<800xf32>
    %broadcast_in_dim3A_859 = vector.shape_cast %reduce_sum3A_858 : vector<800xf32> to vector<800x1xf32>
    %add3A_860 = arith.addf %add3A_846, %broadcast_in_dim3A_859 : vector<800x1xf32>
    %broadcast_in_dim3A_861 = arith.constant 0.000000e+00 : f32
    %broadcast_in_dim3A_862 = vector.broadcast %broadcast_in_dim3A_861 : f32 to vector<800x1xf32>
    %get3A_863 = arith.constant 4 : index
    %get3A_864 = arith.constant 0 : index
    %get3A_865 = arith.constant 0 : index
    %get3A_866 = vector.load %arg9[%get3A_863, %get3A_864, %get3A_865] : memref<5x808x64xf32, #tpu.memory_space<vmem>>, vector<1x800x64xf32>
    %get3A_867 = vector.shape_cast %get3A_866 : vector<1x800x64xf32> to vector<800x64xf32>
    %get3A_868 = arith.constant 0 : index
    %get3A_869 = arith.constant 0 : index
    %get3A_870 = vector.load %arg5[%get3A_868, %get3A_869] : memref<9x64xf32, #tpu.memory_space<vmem>>, vector<1x64xf32>
    %mul3A_871 = vector.broadcast %get3A_870 : vector<1x64xf32> to vector<800x64xf32>
    %mul3A_872 = arith.mulf %get3A_867, %mul3A_871 : vector<800x64xf32>
    %reduce_sum3A_873 = arith.constant dense<0.000000e+00> : vector<800xf32>
    %reduce_sum3A_874 = vector.multi_reduction <add>, %mul3A_872, %reduce_sum3A_873 [1] : vector<800x64xf32> to vector<800xf32>
    %broadcast_in_dim3A_875 = vector.shape_cast %reduce_sum3A_874 : vector<800xf32> to vector<800x1xf32>
    %add3A_876 = arith.addf %broadcast_in_dim3A_862, %broadcast_in_dim3A_875 : vector<800x1xf32>
    %get3A_877 = arith.constant 0 : index
    %get3A_878 = arith.constant 1 : index
    %get3A_879 = arith.constant 0 : index
    %get3A_880 = vector.load %arg9[%get3A_877, %get3A_878, %get3A_879] : memref<5x808x64xf32, #tpu.memory_space<vmem>>, vector<1x800x64xf32>
    %get3A_881 = vector.shape_cast %get3A_880 : vector<1x800x64xf32> to vector<800x64xf32>
    %get3A_882 = arith.constant 1 : index
    %get3A_883 = arith.constant 0 : index
    %get3A_884 = vector.load %arg5[%get3A_882, %get3A_883] : memref<9x64xf32, #tpu.memory_space<vmem>>, vector<1x64xf32>
    %mul3A_885 = vector.broadcast %get3A_884 : vector<1x64xf32> to vector<800x64xf32>
    %mul3A_886 = arith.mulf %get3A_881, %mul3A_885 : vector<800x64xf32>
    %reduce_sum3A_887 = arith.constant dense<0.000000e+00> : vector<800xf32>
    %reduce_sum3A_888 = vector.multi_reduction <add>, %mul3A_886, %reduce_sum3A_887 [1] : vector<800x64xf32> to vector<800xf32>
    %broadcast_in_dim3A_889 = vector.shape_cast %reduce_sum3A_888 : vector<800xf32> to vector<800x1xf32>
    %add3A_890 = arith.addf %add3A_876, %broadcast_in_dim3A_889 : vector<800x1xf32>
    %get3A_891 = arith.constant 1 : index
    %get3A_892 = arith.constant 1 : index
    %get3A_893 = arith.constant 0 : index
    %get3A_894 = vector.load %arg9[%get3A_891, %get3A_892, %get3A_893] : memref<5x808x64xf32, #tpu.memory_space<vmem>>, vector<1x800x64xf32>
    %get3A_895 = vector.shape_cast %get3A_894 : vector<1x800x64xf32> to vector<800x64xf32>
    %get3A_896 = arith.constant 2 : index
    %get3A_897 = arith.constant 0 : index
    %get3A_898 = vector.load %arg5[%get3A_896, %get3A_897] : memref<9x64xf32, #tpu.memory_space<vmem>>, vector<1x64xf32>
    %mul3A_899 = vector.broadcast %get3A_898 : vector<1x64xf32> to vector<800x64xf32>
    %mul3A_900 = arith.mulf %get3A_895, %mul3A_899 : vector<800x64xf32>
    %reduce_sum3A_901 = arith.constant dense<0.000000e+00> : vector<800xf32>
    %reduce_sum3A_902 = vector.multi_reduction <add>, %mul3A_900, %reduce_sum3A_901 [1] : vector<800x64xf32> to vector<800xf32>
    %broadcast_in_dim3A_903 = vector.shape_cast %reduce_sum3A_902 : vector<800xf32> to vector<800x1xf32>
    %add3A_904 = arith.addf %add3A_890, %broadcast_in_dim3A_903 : vector<800x1xf32>
    %get3A_905 = arith.constant 2 : index
    %get3A_906 = arith.constant 1 : index
    %get3A_907 = arith.constant 0 : index
    %get3A_908 = vector.load %arg9[%get3A_905, %get3A_906, %get3A_907] : memref<5x808x64xf32, #tpu.memory_space<vmem>>, vector<1x800x64xf32>
    %get3A_909 = vector.shape_cast %get3A_908 : vector<1x800x64xf32> to vector<800x64xf32>
    %get3A_910 = arith.constant 3 : index
    %get3A_911 = arith.constant 0 : index
    %get3A_912 = vector.load %arg5[%get3A_910, %get3A_911] : memref<9x64xf32, #tpu.memory_space<vmem>>, vector<1x64xf32>
    %mul3A_913 = vector.broadcast %get3A_912 : vector<1x64xf32> to vector<800x64xf32>
    %mul3A_914 = arith.mulf %get3A_909, %mul3A_913 : vector<800x64xf32>
    %reduce_sum3A_915 = arith.constant dense<0.000000e+00> : vector<800xf32>
    %reduce_sum3A_916 = vector.multi_reduction <add>, %mul3A_914, %reduce_sum3A_915 [1] : vector<800x64xf32> to vector<800xf32>
    %broadcast_in_dim3A_917 = vector.shape_cast %reduce_sum3A_916 : vector<800xf32> to vector<800x1xf32>
    %add3A_918 = arith.addf %add3A_904, %broadcast_in_dim3A_917 : vector<800x1xf32>
    %get3A_919 = arith.constant 3 : index
    %get3A_920 = arith.constant 1 : index
    %get3A_921 = arith.constant 0 : index
    %get3A_922 = vector.load %arg9[%get3A_919, %get3A_920, %get3A_921] : memref<5x808x64xf32, #tpu.memory_space<vmem>>, vector<1x800x64xf32>
    %get3A_923 = vector.shape_cast %get3A_922 : vector<1x800x64xf32> to vector<800x64xf32>
    %get3A_924 = arith.constant 4 : index
    %get3A_925 = arith.constant 0 : index
    %get3A_926 = vector.load %arg5[%get3A_924, %get3A_925] : memref<9x64xf32, #tpu.memory_space<vmem>>, vector<1x64xf32>
    %mul3A_927 = vector.broadcast %get3A_926 : vector<1x64xf32> to vector<800x64xf32>
    %mul3A_928 = arith.mulf %get3A_923, %mul3A_927 : vector<800x64xf32>
    %reduce_sum3A_929 = arith.constant dense<0.000000e+00> : vector<800xf32>
    %reduce_sum3A_930 = vector.multi_reduction <add>, %mul3A_928, %reduce_sum3A_929 [1] : vector<800x64xf32> to vector<800xf32>
    %broadcast_in_dim3A_931 = vector.shape_cast %reduce_sum3A_930 : vector<800xf32> to vector<800x1xf32>
    %add3A_932 = arith.addf %add3A_918, %broadcast_in_dim3A_931 : vector<800x1xf32>
    %get3A_933 = arith.constant 4 : index
    %get3A_934 = arith.constant 1 : index
    %get3A_935 = arith.constant 0 : index
    %get3A_936 = vector.load %arg9[%get3A_933, %get3A_934, %get3A_935] : memref<5x808x64xf32, #tpu.memory_space<vmem>>, vector<1x800x64xf32>
    %get3A_937 = vector.shape_cast %get3A_936 : vector<1x800x64xf32> to vector<800x64xf32>
    %get3A_938 = arith.constant 5 : index
    %get3A_939 = arith.constant 0 : index
    %get3A_940 = vector.load %arg5[%get3A_938, %get3A_939] : memref<9x64xf32, #tpu.memory_space<vmem>>, vector<1x64xf32>
    %mul3A_941 = vector.broadcast %get3A_940 : vector<1x64xf32> to vector<800x64xf32>
    %mul3A_942 = arith.mulf %get3A_937, %mul3A_941 : vector<800x64xf32>
    %reduce_sum3A_943 = arith.constant dense<0.000000e+00> : vector<800xf32>
    %reduce_sum3A_944 = vector.multi_reduction <add>, %mul3A_942, %reduce_sum3A_943 [1] : vector<800x64xf32> to vector<800xf32>
    %broadcast_in_dim3A_945 = vector.shape_cast %reduce_sum3A_944 : vector<800xf32> to vector<800x1xf32>
    %add3A_946 = arith.addf %add3A_932, %broadcast_in_dim3A_945 : vector<800x1xf32>
    %get3A_947 = arith.constant 0 : index
    %get3A_948 = arith.constant 2 : index
    %get3A_949 = arith.constant 0 : index
    %get3A_950 = vector.load %arg9[%get3A_947, %get3A_948, %get3A_949] : memref<5x808x64xf32, #tpu.memory_space<vmem>>, vector<1x800x64xf32>
    %get3A_951 = vector.shape_cast %get3A_950 : vector<1x800x64xf32> to vector<800x64xf32>
    %get3A_952 = arith.constant 6 : index
    %get3A_953 = arith.constant 0 : index
    %get3A_954 = vector.load %arg5[%get3A_952, %get3A_953] : memref<9x64xf32, #tpu.memory_space<vmem>>, vector<1x64xf32>
    %mul3A_955 = vector.broadcast %get3A_954 : vector<1x64xf32> to vector<800x64xf32>
    %mul3A_956 = arith.mulf %get3A_951, %mul3A_955 : vector<800x64xf32>
    %reduce_sum3A_957 = arith.constant dense<0.000000e+00> : vector<800xf32>
    %reduce_sum3A_958 = vector.multi_reduction <add>, %mul3A_956, %reduce_sum3A_957 [1] : vector<800x64xf32> to vector<800xf32>
    %broadcast_in_dim3A_959 = vector.shape_cast %reduce_sum3A_958 : vector<800xf32> to vector<800x1xf32>
    %add3A_960 = arith.addf %add3A_946, %broadcast_in_dim3A_959 : vector<800x1xf32>
    %get3A_961 = arith.constant 1 : index
    %get3A_962 = arith.constant 2 : index
    %get3A_963 = arith.constant 0 : index
    %get3A_964 = vector.load %arg9[%get3A_961, %get3A_962, %get3A_963] : memref<5x808x64xf32, #tpu.memory_space<vmem>>, vector<1x800x64xf32>
    %get3A_965 = vector.shape_cast %get3A_964 : vector<1x800x64xf32> to vector<800x64xf32>
    %get3A_966 = arith.constant 7 : index
    %get3A_967 = arith.constant 0 : index
    %get3A_968 = vector.load %arg5[%get3A_966, %get3A_967] : memref<9x64xf32, #tpu.memory_space<vmem>>, vector<1x64xf32>
    %mul3A_969 = vector.broadcast %get3A_968 : vector<1x64xf32> to vector<800x64xf32>
    %mul3A_970 = arith.mulf %get3A_965, %mul3A_969 : vector<800x64xf32>
    %reduce_sum3A_971 = arith.constant dense<0.000000e+00> : vector<800xf32>
    %reduce_sum3A_972 = vector.multi_reduction <add>, %mul3A_970, %reduce_sum3A_971 [1] : vector<800x64xf32> to vector<800xf32>
    %broadcast_in_dim3A_973 = vector.shape_cast %reduce_sum3A_972 : vector<800xf32> to vector<800x1xf32>
    %add3A_974 = arith.addf %add3A_960, %broadcast_in_dim3A_973 : vector<800x1xf32>
    %get3A_975 = arith.constant 2 : index
    %get3A_976 = arith.constant 2 : index
    %get3A_977 = arith.constant 0 : index
    %get3A_978 = vector.load %arg9[%get3A_975, %get3A_976, %get3A_977] : memref<5x808x64xf32, #tpu.memory_space<vmem>>, vector<1x800x64xf32>
    %get3A_979 = vector.shape_cast %get3A_978 : vector<1x800x64xf32> to vector<800x64xf32>
    %get3A_980 = arith.constant 8 : index
    %get3A_981 = arith.constant 0 : index
    %get3A_982 = vector.load %arg5[%get3A_980, %get3A_981] : memref<9x64xf32, #tpu.memory_space<vmem>>, vector<1x64xf32>
    %mul3A_983 = vector.broadcast %get3A_982 : vector<1x64xf32> to vector<800x64xf32>
    %mul3A_984 = arith.mulf %get3A_979, %mul3A_983 : vector<800x64xf32>
    %reduce_sum3A_985 = arith.constant dense<0.000000e+00> : vector<800xf32>
    %reduce_sum3A_986 = vector.multi_reduction <add>, %mul3A_984, %reduce_sum3A_985 [1] : vector<800x64xf32> to vector<800xf32>
    %broadcast_in_dim3A_987 = vector.shape_cast %reduce_sum3A_986 : vector<800xf32> to vector<800x1xf32>
    %add3A_988 = arith.addf %add3A_974, %broadcast_in_dim3A_987 : vector<800x1xf32>
    %broadcast_in_dim3A_989 = arith.constant 0.000000e+00 : f32
    %broadcast_in_dim3A_990 = vector.broadcast %broadcast_in_dim3A_989 : f32 to vector<800x1xf32>
    %get3A_991 = arith.constant 0 : index
    %get3A_992 = arith.constant 1 : index
    %get3A_993 = arith.constant 0 : index
    %get3A_994 = vector.load %arg9[%get3A_991, %get3A_992, %get3A_993] : memref<5x808x64xf32, #tpu.memory_space<vmem>>, vector<1x800x64xf32>
    %get3A_995 = vector.shape_cast %get3A_994 : vector<1x800x64xf32> to vector<800x64xf32>
    %get3A_996 = arith.constant 0 : index
    %get3A_997 = arith.constant 0 : index
    %get3A_998 = vector.load %arg5[%get3A_996, %get3A_997] : memref<9x64xf32, #tpu.memory_space<vmem>>, vector<1x64xf32>
    %mul3A_999 = vector.broadcast %get3A_998 : vector<1x64xf32> to vector<800x64xf32>
    %mul3A_1000 = arith.mulf %get3A_995, %mul3A_999 : vector<800x64xf32>
    %reduce_sum3A_1001 = arith.constant dense<0.000000e+00> : vector<800xf32>
    %reduce_sum3A_1002 = vector.multi_reduction <add>, %mul3A_1000, %reduce_sum3A_1001 [1] : vector<800x64xf32> to vector<800xf32>
    %broadcast_in_dim3A_1003 = vector.shape_cast %reduce_sum3A_1002 : vector<800xf32> to vector<800x1xf32>
    %add3A_1004 = arith.addf %broadcast_in_dim3A_990, %broadcast_in_dim3A_1003 : vector<800x1xf32>
    %get3A_1005 = arith.constant 1 : index
    %get3A_1006 = arith.constant 1 : index
    %get3A_1007 = arith.constant 0 : index
    %get3A_1008 = vector.load %arg9[%get3A_1005, %get3A_1006, %get3A_1007] : memref<5x808x64xf32, #tpu.memory_space<vmem>>, vector<1x800x64xf32>
    %get3A_1009 = vector.shape_cast %get3A_1008 : vector<1x800x64xf32> to vector<800x64xf32>
    %get3A_1010 = arith.constant 1 : index
    %get3A_1011 = arith.constant 0 : index
    %get3A_1012 = vector.load %arg5[%get3A_1010, %get3A_1011] : memref<9x64xf32, #tpu.memory_space<vmem>>, vector<1x64xf32>
    %mul3A_1013 = vector.broadcast %get3A_1012 : vector<1x64xf32> to vector<800x64xf32>
    %mul3A_1014 = arith.mulf %get3A_1009, %mul3A_1013 : vector<800x64xf32>
    %reduce_sum3A_1015 = arith.constant dense<0.000000e+00> : vector<800xf32>
    %reduce_sum3A_1016 = vector.multi_reduction <add>, %mul3A_1014, %reduce_sum3A_1015 [1] : vector<800x64xf32> to vector<800xf32>
    %broadcast_in_dim3A_1017 = vector.shape_cast %reduce_sum3A_1016 : vector<800xf32> to vector<800x1xf32>
    %add3A_1018 = arith.addf %add3A_1004, %broadcast_in_dim3A_1017 : vector<800x1xf32>
    %get3A_1019 = arith.constant 2 : index
    %get3A_1020 = arith.constant 1 : index
    %get3A_1021 = arith.constant 0 : index
    %get3A_1022 = vector.load %arg9[%get3A_1019, %get3A_1020, %get3A_1021] : memref<5x808x64xf32, #tpu.memory_space<vmem>>, vector<1x800x64xf32>
    %get3A_1023 = vector.shape_cast %get3A_1022 : vector<1x800x64xf32> to vector<800x64xf32>
    %get3A_1024 = arith.constant 2 : index
    %get3A_1025 = arith.constant 0 : index
    %get3A_1026 = vector.load %arg5[%get3A_1024, %get3A_1025] : memref<9x64xf32, #tpu.memory_space<vmem>>, vector<1x64xf32>
    %mul3A_1027 = vector.broadcast %get3A_1026 : vector<1x64xf32> to vector<800x64xf32>
    %mul3A_1028 = arith.mulf %get3A_1023, %mul3A_1027 : vector<800x64xf32>
    %reduce_sum3A_1029 = arith.constant dense<0.000000e+00> : vector<800xf32>
    %reduce_sum3A_1030 = vector.multi_reduction <add>, %mul3A_1028, %reduce_sum3A_1029 [1] : vector<800x64xf32> to vector<800xf32>
    %broadcast_in_dim3A_1031 = vector.shape_cast %reduce_sum3A_1030 : vector<800xf32> to vector<800x1xf32>
    %add3A_1032 = arith.addf %add3A_1018, %broadcast_in_dim3A_1031 : vector<800x1xf32>
    %get3A_1033 = arith.constant 3 : index
    %get3A_1034 = arith.constant 1 : index
    %get3A_1035 = arith.constant 0 : index
    %get3A_1036 = vector.load %arg9[%get3A_1033, %get3A_1034, %get3A_1035] : memref<5x808x64xf32, #tpu.memory_space<vmem>>, vector<1x800x64xf32>
    %get3A_1037 = vector.shape_cast %get3A_1036 : vector<1x800x64xf32> to vector<800x64xf32>
    %get3A_1038 = arith.constant 3 : index
    %get3A_1039 = arith.constant 0 : index
    %get3A_1040 = vector.load %arg5[%get3A_1038, %get3A_1039] : memref<9x64xf32, #tpu.memory_space<vmem>>, vector<1x64xf32>
    %mul3A_1041 = vector.broadcast %get3A_1040 : vector<1x64xf32> to vector<800x64xf32>
    %mul3A_1042 = arith.mulf %get3A_1037, %mul3A_1041 : vector<800x64xf32>
    %reduce_sum3A_1043 = arith.constant dense<0.000000e+00> : vector<800xf32>
    %reduce_sum3A_1044 = vector.multi_reduction <add>, %mul3A_1042, %reduce_sum3A_1043 [1] : vector<800x64xf32> to vector<800xf32>
    %broadcast_in_dim3A_1045 = vector.shape_cast %reduce_sum3A_1044 : vector<800xf32> to vector<800x1xf32>
    %add3A_1046 = arith.addf %add3A_1032, %broadcast_in_dim3A_1045 : vector<800x1xf32>
    %get3A_1047 = arith.constant 4 : index
    %get3A_1048 = arith.constant 1 : index
    %get3A_1049 = arith.constant 0 : index
    %get3A_1050 = vector.load %arg9[%get3A_1047, %get3A_1048, %get3A_1049] : memref<5x808x64xf32, #tpu.memory_space<vmem>>, vector<1x800x64xf32>
    %get3A_1051 = vector.shape_cast %get3A_1050 : vector<1x800x64xf32> to vector<800x64xf32>
    %get3A_1052 = arith.constant 4 : index
    %get3A_1053 = arith.constant 0 : index
    %get3A_1054 = vector.load %arg5[%get3A_1052, %get3A_1053] : memref<9x64xf32, #tpu.memory_space<vmem>>, vector<1x64xf32>
    %mul3A_1055 = vector.broadcast %get3A_1054 : vector<1x64xf32> to vector<800x64xf32>
    %mul3A_1056 = arith.mulf %get3A_1051, %mul3A_1055 : vector<800x64xf32>
    %reduce_sum3A_1057 = arith.constant dense<0.000000e+00> : vector<800xf32>
    %reduce_sum3A_1058 = vector.multi_reduction <add>, %mul3A_1056, %reduce_sum3A_1057 [1] : vector<800x64xf32> to vector<800xf32>
    %broadcast_in_dim3A_1059 = vector.shape_cast %reduce_sum3A_1058 : vector<800xf32> to vector<800x1xf32>
    %add3A_1060 = arith.addf %add3A_1046, %broadcast_in_dim3A_1059 : vector<800x1xf32>
    %get3A_1061 = arith.constant 0 : index
    %get3A_1062 = arith.constant 2 : index
    %get3A_1063 = arith.constant 0 : index
    %get3A_1064 = vector.load %arg9[%get3A_1061, %get3A_1062, %get3A_1063] : memref<5x808x64xf32, #tpu.memory_space<vmem>>, vector<1x800x64xf32>
    %get3A_1065 = vector.shape_cast %get3A_1064 : vector<1x800x64xf32> to vector<800x64xf32>
    %get3A_1066 = arith.constant 5 : index
    %get3A_1067 = arith.constant 0 : index
    %get3A_1068 = vector.load %arg5[%get3A_1066, %get3A_1067] : memref<9x64xf32, #tpu.memory_space<vmem>>, vector<1x64xf32>
    %mul3A_1069 = vector.broadcast %get3A_1068 : vector<1x64xf32> to vector<800x64xf32>
    %mul3A_1070 = arith.mulf %get3A_1065, %mul3A_1069 : vector<800x64xf32>
    %reduce_sum3A_1071 = arith.constant dense<0.000000e+00> : vector<800xf32>
    %reduce_sum3A_1072 = vector.multi_reduction <add>, %mul3A_1070, %reduce_sum3A_1071 [1] : vector<800x64xf32> to vector<800xf32>
    %broadcast_in_dim3A_1073 = vector.shape_cast %reduce_sum3A_1072 : vector<800xf32> to vector<800x1xf32>
    %add3A_1074 = arith.addf %add3A_1060, %broadcast_in_dim3A_1073 : vector<800x1xf32>
    %get3A_1075 = arith.constant 1 : index
    %get3A_1076 = arith.constant 2 : index
    %get3A_1077 = arith.constant 0 : index
    %get3A_1078 = vector.load %arg9[%get3A_1075, %get3A_1076, %get3A_1077] : memref<5x808x64xf32, #tpu.memory_space<vmem>>, vector<1x800x64xf32>
    %get3A_1079 = vector.shape_cast %get3A_1078 : vector<1x800x64xf32> to vector<800x64xf32>
    %get3A_1080 = arith.constant 6 : index
    %get3A_1081 = arith.constant 0 : index
    %get3A_1082 = vector.load %arg5[%get3A_1080, %get3A_1081] : memref<9x64xf32, #tpu.memory_space<vmem>>, vector<1x64xf32>
    %mul3A_1083 = vector.broadcast %get3A_1082 : vector<1x64xf32> to vector<800x64xf32>
    %mul3A_1084 = arith.mulf %get3A_1079, %mul3A_1083 : vector<800x64xf32>
    %reduce_sum3A_1085 = arith.constant dense<0.000000e+00> : vector<800xf32>
    %reduce_sum3A_1086 = vector.multi_reduction <add>, %mul3A_1084, %reduce_sum3A_1085 [1] : vector<800x64xf32> to vector<800xf32>
    %broadcast_in_dim3A_1087 = vector.shape_cast %reduce_sum3A_1086 : vector<800xf32> to vector<800x1xf32>
    %add3A_1088 = arith.addf %add3A_1074, %broadcast_in_dim3A_1087 : vector<800x1xf32>
    %get3A_1089 = arith.constant 2 : index
    %get3A_1090 = arith.constant 2 : index
    %get3A_1091 = arith.constant 0 : index
    %get3A_1092 = vector.load %arg9[%get3A_1089, %get3A_1090, %get3A_1091] : memref<5x808x64xf32, #tpu.memory_space<vmem>>, vector<1x800x64xf32>
    %get3A_1093 = vector.shape_cast %get3A_1092 : vector<1x800x64xf32> to vector<800x64xf32>
    %get3A_1094 = arith.constant 7 : index
    %get3A_1095 = arith.constant 0 : index
    %get3A_1096 = vector.load %arg5[%get3A_1094, %get3A_1095] : memref<9x64xf32, #tpu.memory_space<vmem>>, vector<1x64xf32>
    %mul3A_1097 = vector.broadcast %get3A_1096 : vector<1x64xf32> to vector<800x64xf32>
    %mul3A_1098 = arith.mulf %get3A_1093, %mul3A_1097 : vector<800x64xf32>
    %reduce_sum3A_1099 = arith.constant dense<0.000000e+00> : vector<800xf32>
    %reduce_sum3A_1100 = vector.multi_reduction <add>, %mul3A_1098, %reduce_sum3A_1099 [1] : vector<800x64xf32> to vector<800xf32>
    %broadcast_in_dim3A_1101 = vector.shape_cast %reduce_sum3A_1100 : vector<800xf32> to vector<800x1xf32>
    %add3A_1102 = arith.addf %add3A_1088, %broadcast_in_dim3A_1101 : vector<800x1xf32>
    %get3A_1103 = arith.constant 3 : index
    %get3A_1104 = arith.constant 2 : index
    %get3A_1105 = arith.constant 0 : index
    %get3A_1106 = vector.load %arg9[%get3A_1103, %get3A_1104, %get3A_1105] : memref<5x808x64xf32, #tpu.memory_space<vmem>>, vector<1x800x64xf32>
    %get3A_1107 = vector.shape_cast %get3A_1106 : vector<1x800x64xf32> to vector<800x64xf32>
    %get3A_1108 = arith.constant 8 : index
    %get3A_1109 = arith.constant 0 : index
    %get3A_1110 = vector.load %arg5[%get3A_1108, %get3A_1109] : memref<9x64xf32, #tpu.memory_space<vmem>>, vector<1x64xf32>
    %mul3A_1111 = vector.broadcast %get3A_1110 : vector<1x64xf32> to vector<800x64xf32>
    %mul3A_1112 = arith.mulf %get3A_1107, %mul3A_1111 : vector<800x64xf32>
    %reduce_sum3A_1113 = arith.constant dense<0.000000e+00> : vector<800xf32>
    %reduce_sum3A_1114 = vector.multi_reduction <add>, %mul3A_1112, %reduce_sum3A_1113 [1] : vector<800x64xf32> to vector<800xf32>
    %broadcast_in_dim3A_1115 = vector.shape_cast %reduce_sum3A_1114 : vector<800xf32> to vector<800x1xf32>
    %add3A_1116 = arith.addf %add3A_1102, %broadcast_in_dim3A_1115 : vector<800x1xf32>
    %concatenate3A = tpu.concatenate %add3A_604, %add3A_732, %add3A_860, %add3A_988, %add3A_1116 in 1 : vector<800x1xf32>, vector<800x1xf32>, vector<800x1xf32>, vector<800x1xf32>, vector<800x1xf32> -> vector<800x5xf32>
    %swap3A_1117 = arith.constant 0 : index
    %swap3A_1118 = arith.constant 0 : index
    %swap3A_1119 = arith.constant 0 : index
    %swap3A_1120 = vector.load %arg6[%swap3A_1117, %swap3A_1118, %swap3A_1119] : memref<1x800x5xf32, #tpu.memory_space<vmem>>, vector<1x800x5xf32>
    %swap3A_1121 = vector.shape_cast %swap3A_1120 : vector<1x800x5xf32> to vector<800x5xf32>
    %swap3A_1122 = vector.shape_cast %concatenate3A : vector<800x5xf32> to vector<1x800x5xf32>
    tpu.vector_store %arg6[%swap3A_1117, %swap3A_1118, %swap3A_1119], %swap3A_1122 {strides = array<i32>} : memref<1x800x5xf32, #tpu.memory_space<vmem>>, vector<1x800x5xf32>,
    return
  }
  func.func @transform_0(%arg0: i32) -> (i32, i32, i32) {
    %c0_i32 = arith.constant 0 : i32
    %c0_i32_0 = arith.constant 0 : i32
    %c0_i32_1 = arith.constant 0 : i32
    return %arg0, %c0_i32, %c0_i32_0 : i32, i32, i32
  }
  func.func @transform_1(%arg0: i32) -> (i32, i32, i32) {
    %c0_i32 = arith.constant 0 : i32
    %c0_i32_0 = arith.constant 0 : i32
    %c0_i32_1 = arith.constant 0 : i32
    return %arg0, %c0_i32, %c0_i32_0 : i32, i32, i32
  }
  func.func @transform_2(%arg0: i32) -> (i32, i32) {
    %c0_i32 = arith.constant 0 : i32
    %c0_i32_0 = arith.constant 0 : i32
    %c0_i32_1 = arith.constant 0 : i32
    return %c0_i32, %c0_i32_0 : i32, i32
  }
  func.func @transform_3(%arg0: i32) -> (i32, i32, i32) {
    %c0_i32 = arith.constant 0 : i32
    %c0_i32_0 = arith.constant 0 : i32
    %c0_i32_1 = arith.constant 0 : i32
    %c0_i32_2 = arith.constant 0 : i32
    return %c0_i32, %c0_i32_0, %c0_i32_1 : i32, i32, i32
  }
  func.func @transform_4(%arg0: i32) -> (i32, i32) {
    %c0_i32 = arith.constant 0 : i32
    %c0_i32_0 = arith.constant 0 : i32
    %c0_i32_1 = arith.constant 0 : i32
    return %c0_i32, %c0_i32_0 : i32, i32
  }
  func.func @transform_5(%arg0: i32) -> (i32, i32, i32) {
    %c0_i32 = arith.constant 0 : i32
    %c0_i32_0 = arith.constant 0 : i32
    %c0_i32_1 = arith.constant 0 : i32
    return %arg0, %c0_i32, %c0_i32_0 : i32, i32, i32
  }
  func.func @transform_6(%arg0: i32) -> (i32, i32, i32) {
    %c0_i32 = arith.constant 0 : i32
    %c0_i32_0 = arith.constant 0 : i32
    %c0_i32_1 = arith.constant 0 : i32
    return %arg0, %c0_i32, %c0_i32_0 : i32, i32, i32
  }
}

</mosaic_0001>

<sc_bundles>
// kernel: gather_offload_async_start
scs
__scs_entry_jumppad:
0x0: {  	(pc) =	sbr.rel $0x88, $3  }
0x1: {  	(tag) =	ssettag $0x0;
	lr =	simm.s32 $0x1  }
0x2: {  	[smem:$0x3F98] =	sst lr;
	_ =	strace $0xD0000000  }
0x3: {  	_ = 	snop  }
0x4: {  	_ = 	snop  }
0x5: {  	_ = 	snop  }
0x6: {  	_ = 	snop  }
0x7: {  	_ = 	snop  }
__scs_overlays_trampoline_lowered:
0x8: {  	[smem:$0x3FA7] =	sst s0  }
0x9: {  	[smem:$0x3FA8] =	sst s1  }
0xa: {  	[smem:$0x3FA9] =	sst s2  }
0xb: {  	[smem:$0x3FAA] =	sst s3  }
0xc: {  	[smem:$0x3FAB] =	sst s4  }
0xd: {  	[smem:$0x3FAC] =	sst s5  }
0xe: {  	[smem:$0x3FAD] =	sst s6  }
0xf: {  	[smem:$0x3FAE] =	sst s7  }
0x10: {  	[smem:$0x3FAF] =	sst s8  }
0x11: {  	[smem:$0x3FB0] =	sst s9;
	s0 =	simm.s32 @!p0 $0x0  }
0x12: {  	s1 =	sld [smem:$0x3F96];
	s0 =	simm.s32 @p0 $0x1  }
0x13: {  	[smem:$0x3FB1] =	sst s0;
	s0 =	simm.s32 @!p1 $0x0  }
0x14: {  	s2 =	sld [smem:$0x3F95];
	s0 =	simm.s32 @p1 $0x1  }
0x15: {  	[smem:$0x3FB2] =	sst s0;
	s0 =	simm.s32 @!p2 $0x0  }
0x16: {  	s3 =	sld [smem:$0x3FDB];
	s0 =	simm.s32 @p2 $0x1  }
0x17: {  	s4 =	simm.s32 $0x1BF5;
	[smem:$0x3FB4] =	sst s0  }
0x18: {  	s0 =	sld [smem:$0x3F97];
	_ =	swait.ge [sflag:s4], $0x0  }
0x19: {  	s7 =	sld [smem:$0x3F98]  }
0x1a: {  	s8 =	sadd.s32 $0xFFFFE003, lr  }
0x1b: {  	s9 =	sadd.s32 $0xFFFFFEF7, lr;
	s5 =	simm.s32 $0xFFFFFFFF;
	p2 =	slt.u32 s8, $0xFFFFF086  }
0x1c: {  	p1 =	slt.u32 s9, $0xF7A;
	s5 =	simm.s32 @!p2 $0x0  }
0x1d: {  	s5 =	simm.s32 @p1 $0x1;
	p0 =	seq.s32 s7, s2  }
0x1e: {  	s7 =	smul.u32 @!p0 $0xF7A, s2;
	p2 =	seq.s32 @!p0 s5, $0x0  }
0x1f: {  	s9 =	smul.u32 $0xF7A, s1;
	s8 =	simm.s32 @!p0 $0x1BF5;
	p2 =	por !p2, p0  }
0x20: {  	[sflag:s8] =	ssyncset.s32 @!p0 $0xFFFFF086;
	s6 =	sadd.s32 @!p0 s3, s7;
	s7 =	simm.s32 @!p0 $0x108  }
0x21: {  	s3 =	sadd.s32 s3, s9;
	s6 =	sadd.s32 @!p0 $0x88, s6;
	s7 =	simm.s32 @p2 $0x1082  }
0x22: {  	[simem:s7], [sflag:s8] =	dma.local @!p0 [hbm:s6], $0xF7A  }
0x23: {  	s9 =	sor.u32 $0xD0000000, s2;
	s6 =	simm.s32 $0x108;
	_ =	swait.ge @!p0 [sflag:s8], $0x0  }
0x24: {  	s3 =	sadd.s32 $0x88, s3;
	s6 =	simm.s32 @!p1 $0x1082;
	[sflag:s4] =	ssyncset.s32 $0xFFFFF086  }
0x25: {  	[simem:s6], [sflag:s4] =	dma.local [hbm:s3], $0xF7A  }
0x26: {  	[smem:$0x3F98] =	sst s1;
	(tag) =	ssettag s2;
	_ =	strace s9  }
0x27: {  	s1 =	sld [smem:$0x3FA8]  }
0x28: {  	s2 =	sld [smem:$0x3FA9]  }
0x29: {  	s4 =	sld [smem:$0x3FAB]  }
0x2a: {  	p0 =	seq.s32 s5, $0x0;
	s5 =	sld [smem:$0x3FAC]  }
0x2b: {  	s6 =	sld [smem:$0x3FAD]  }
0x2c: {  	s7 =	sld [smem:$0x3FAE]  }
0x2d: {  	s3 =	simm.s32 $0x108;
	s8 =	sld [smem:$0x3FAF]  }
0x2e: {  	s3 =	simm.s32 @!p0 $0x1082;
	s9 =	sld [smem:$0x3FB0]  }
0x2f: {  	lr =	sadd.s32 s0, s3;
	s0 =	sld [smem:$0x3FA7]  }
0x30: {  	s3 =	sld [smem:$0x3FAA]  }
0x31: {  	[smem:$0x3FB3] =	sst s10  }
0x32: {  	s10 =	sld [smem:$0x3FB1];
	_ =	sdelay $0x3  }
0x33: {  	p0 =	seq.s32 s10, $0x1;
	s10 =	sld [smem:$0x3FB3];
	_ =	sdelay $0x3  }
0x34: {  	[smem:$0x3FB3] =	sst s10  }
0x35: {  	s10 =	sld [smem:$0x3FB2];
	_ =	sdelay $0x3  }
0x36: {  	p1 =	seq.s32 s10, $0x1;
	s10 =	sld [smem:$0x3FB3];
	_ =	sdelay $0x3  }
0x37: {  	[smem:$0x3FB3] =	sst s10  }
0x38: {  	s10 =	sld [smem:$0x3FB4]  }
0x39: {  	_ = 	snop;
	(pc) =	sbr.ind lr, $3  }
0x3a: {  	_ = 	snop  }
0x3b: {  	_ = 	snop  }
0x3c: {  	p2 =	seq.s32 s10, $0x1;
	s10 =	sld [smem:$0x3FB3]  }
0x3d: {  	_ =	shalt  }
0x3e: {  	_ =	shalt  }
0x3f: {  	_ =	shalt  }
0x40: {  	_ =	shalt  }
0x41: {  	_ =	shalt  }
0x42: {  	_ =	shalt  }
0x43: {  	_ =	shalt  }
0x44: {  	_ =	shalt  }
0x45: {  	_ =	shalt  }
0x46: {  	_ =	shalt  }
0x47: {  	_ =	shalt  }
0x48: {  	_ =	shalt  }
0x49: {  	_ =	shalt  }
0x4a: {  	_ =	shalt  }
0x4b: {  	_ =	shalt  }
0x4c: {  	_ =	shalt  }
0x4d: {  	_ =	shalt  }
0x4e: {  	_ =	shalt  }
0x4f: {  	_ =	shalt  }
0x50: {  	_ =	shalt  }
0x51: {  	_ =	shalt  }
0x52: {  	_ =	shalt  }
0x53: {  	_ =	shalt  }
0x54: {  	_ =	shalt  }
0x55: {  	_ =	shalt  }
0x56: {  	_ =	shalt  }
0x57: {  	_ =	shalt  }
0x58: {  	_ =	shalt  }
0x59: {  	_ =	shalt  }
0x5a: {  	_ =	shalt  }
0x5b: {  	_ =	shalt  }
0x5c: {  	_ =	shalt  }
0x5d: {  	_ =	shalt  }
0x5e: {  	_ =	shalt  }
0x5f: {  	_ =	shalt  }
0x60: {  	_ =	shalt  }
0x61: {  	_ =	shalt  }
0x62: {  	_ =	shalt  }
0x63: {  	_ =	shalt  }
0x64: {  	_ =	shalt  }
0x65: {  	_ =	shalt  }
0x66: {  	_ =	shalt  }
0x67: {  	_ =	shalt  }
0x68: {  	_ =	shalt  }
0x69: {  	_ =	shalt  }
0x6a: {  	_ =	shalt  }
0x6b: {  	_ =	shalt  }
0x6c: {  	_ =	shalt  }
0x6d: {  	_ =	shalt  }
0x6e: {  	_ =	shalt  }
0x6f: {  	_ =	shalt  }
0x70: {  	_ =	shalt  }
0x71: {  	_ =	shalt  }
0x72: {  	_ =	shalt  }
0x73: {  	_ =	shalt  }
0x74: {  	_ =	shalt  }
0x75: {  	_ =	shalt  }
0x76: {  	_ =	shalt  }
0x77: {  	_ =	shalt  }
0x78: {  	_ =	shalt  }
0x79: {  	_ =	shalt  }
0x7a: {  	_ =	shalt  }
0x7b: {  	_ =	shalt  }
0x7c: {  	_ =	shalt  }
0x7d: {  	_ =	shalt  }
0x7e: {  	_ =	shalt  }
0x7f: {  	_ =	shalt  }
0x80: {  	_ =	shalt  }
0x81: {  	_ =	shalt  }
0x82: {  	_ =	shalt  }
0x83: {  	_ =	shalt  }
0x84: {  	_ =	shalt  }
0x85: {  	_ =	shalt  }
0x86: {  	_ =	shalt  }
0x87: {  	_ =	shalt  }
.Lfunc_end0:
.L_simem_size_0:
called_computation_lowered:
.L_overlay_start_0:
0x88: {  	s2 =	sld [smem:$0x3FD9]  }
0x89: {  	s3 =	sld [smem:$0x3FFE];
	_ =	sdelay $0x1  }
0x8a: {  	s1 =	srdreg.scid  }
0x8b: {  	s0 =	sand.u32 $0x1, s1  }
0x8c: {  	s14 =	sshll.u32 s0, $0xA;
	s2 =	sadd.s32 s3, s2  }
0x8d: {  	s2 =	sadd.s32 s2, s14  }
0x8e: {  	[smem:$0x3FBF] =	sst s2  }
0x8f: {  	_ = 	snop  }
0x90: {  	s2 =	sld [smem:$0x3FD0];
	_ =	sdelay $0x2  }
0x91: {  	s4 =	simm.s32 $0xA;
	s5 =	simm.s32 $0x10;
	s15 =	sld [smem:$0x3FC4]  }
0x92: {  	[smem:s5], [sflag:s4] =	dma.local [hbm:s2], $0x1  }
0x93: {  	_ =	swait.eq [sflag:s4], $0x1  }
0x94: {  	[sflag:s4] =	ssyncset.done $0x0  }
0x95: {  	[sflag:s4] =	ssyncadd.s32 $0xFFFFFFFF  }
0x96: {  	s16 =	sld [smem:$0x10];
	(tm) =	ssettm $0x1  }
0x97: {  	s17 =	sld [smem:$0x3FFB];
	_ =	sdelay $0x3  }
0x98: {  	_ =	strace s17  }
0x99: {  	s4 =	sld [smem:$0x3FFC];
	_ =	sdelay $0x3  }
0x9a: {  	_ =	strace s4  }
0x9b: {  	s4 =	sld [smem:$0x3FFD];
	_ =	sdelay $0x3  }
0x9c: {  	_ =	strace s4  }
0x9d: {  	_ =	strace $0x8FFFFFFF  }
0x9e: {  	s18 =	sld [smem:$0x3FDB];
	_ =	sdelay $0x1  }
0x9f: {  	s19 =	simm.s32 $_scs_section_size  }
0xa0: {  	s6 =	simm.s32 $_size__tile_overlayer_lowered;
	s7 =	simm.s32 $_tile_overlayer_lowered  }
0xa1: {  	s22 =	simm.s32 $0x1BFF;
	s21 =	sshll.u32 s7, $0x1;
	s4 =	sadd.s32 s19, s18  }
0xa2: {  	s8 =	simm.s32 $0x0;
	s20 =	sshll.u32 s6, $0x1;
	s6 =	sadd.s32 s21, s4  }
0xa3: {  	[timem:s8], [sflag:s22] =	dma.local [hbm:s6], s20  }
0xa4: {  	_ =	swait.ge [sflag:s22], s20  }
0xa5: {  	s5 =	ssub.s32 $0x0, s20;
	[sflag:s22] =	ssyncset.done $0x0  }
0xa6: {  	[sflag:s22] =	ssyncadd.s32 s5;
	_ =	sdelay $0x1  }
0xa7: {  	s23 =	simm.s32 $0x1B8B  }
0xa8: {  	_ =	swait.ge [sflag:s23], $0x1  }
0xa9: {  	[sflag:s23] =	ssyncset.done $0x0  }
0xaa: {  	s25 =	simm.s32 $0x1B8E;
	s24 =	sld [smem:$0x3FFE];
	[sflag:s23] =	ssyncadd.s32 $0xFFFFFFFF  }
0xab: {  	s26 =	simm.s32 $execute0_lowered;
	[smem:$0x3FD2] =	sst s25  }
0xac: {  	s6 =	sshll.u32 s26, $0x1;
	_ =	strace $0x80000046;
	[dreg:$0x1] =	wrdreg $0xFFFFFFFF  }
0xad: {  	s28 =	simm.s32 $_size_execute0_lowered;
	s4 =	sadd.s32 s4, s6;
	[dreg:$0x0] =	wrdreg $0x0  }
0xae: {  	s6 =	sshll.u32 s28, $0x1;
	[dreg:$0x2] =	wrdreg s4  }
0xaf: {  	[dreg:$0x3] =	wrdreg s6  }
0xb0: {  	[dreg:$0x4] =	wrdreg $0xC0  }
0xb1: {  	_ =	task [dreg:s8], $0x5FFFF  }
0xb2: {  	[dreg:$0x1] =	wrdreg $0xFFFFFFFF  }
0xb3: {  	[dreg:$0x0] =	wrdreg $0x60  }
0xb4: {  	[dreg:$0x2] =	wrdreg s15  }
0xb5: {  	[dreg:$0x3] =	wrdreg s16  }
0xb6: {  	[dreg:$0x4] =	wrdreg s24  }
0xb7: {  	[dreg:$0x5] =	wrdreg $0x9  }
0xb8: {  	_ =	task.clear_ibuf [dreg:s8], $0x6FFFF;
	_ =	strace $0x90000046  }
0xb9: {  	s29 =	simm.s32 $0x9;
	_ =	strace $0x80000048  }
0xba: {  	_ =	swait.ge [sflag:s29], $0x1  }
0xbb: {  	[sflag:s29] =	ssyncadd.s32 $0xFFFFFFFF  }
0xbc: {  	_ =	strace $0x90000048  }
0xbd: {  	_ =	sfence  }
0xbe: {  	s30 =	sld [smem:$0x0];
	_ =	sdelay $0x2  }
0xbf: {  	s31 =	sshll.u32 s1, $0xD;
	s1 =	sshrl.u32 s1, $0x2  }
0xc0: {  	s3 =	sand.u32 $0x4000, s31;
	s1 =	sadd.s32 s1, s30  }
0xc1: {  	s0 =	sor.u32 s3, s0;
	s1 =	sshll.u32 s1, $0x11  }
0xc2: {  	s0 =	sor.u32 s1, s0  }
0xc3: {  	s0 =	sadd.s32 $0x8F2B, s0  }
0xc4: {  	[sflag:s0] =	ssyncadd.remote.s32 $0x1  }
0xc5: {  	_ =	sfence.sel $0xFFFF  }
0xc6: {  	[dreg:$0x0] =	wrdreg $0xFFFFFFFF;
	(pc) =	sbr.abs _section_cstart, $3  }
0xc7: {  	[dreg:$0x1] =	wrdreg $0xFFFFFFFF  }
0xc8: {  	_ =	task.clear_ibuf [dreg:s8], $0x2FFFF;
	_ =	strace $0x9FFFFFFF  }
0xc9: {  	(tm) =	ssettm $0x7FFFFFFF  }
tec
execute0_lowered:
.L_overlay_start_1:
0x0: {  	(tag) =	ssettag $0x1  }
0x1: {  	s0 =	srdreg.scid  }
0x2: {  	s1 =	sshll.u32 s0, $0x4  }
0x3: {  	s0 =	stileid.u32;
	s1 =	sand.u32 $0x10, s1  }
0x4: {  	s2 =	sor.u32 s0, s1  }
0x5: {  	s1 =	sshrl.u32 s1, $0x4;
	s3 =	smin.u32 s2, $0x10;
	s2 =	sshll.u32 s2, $0x1  }
0x6: {  	s1 =	sxor.u32 $0x3, s1;
	s2 =	sadd.s32 s3, s2  }
0x7: {  	s1 =	sadd.s32 s1, s2  }
0x8: {  	s1 =	smul.u32 $0xA0, s1  }
0x9: {  	s2 =	smul.u32 $0xA0, s2  }
0xa: {  	s3 =	smin.u32 s1, $0x3200  }
0xb: {  	s7 =	ssub.s32 s3, s2  }
0xc: {  	p0 =	sgt.s32 s7, $0x0  }
0xd: {  	s4 =	rddreg [dreg:$0x0];
	s7 =	simm.s32 @!p0 $0x0  }
0xe: {  	s5 =	rddreg [dreg:$0x1];
	s31 =	smul.u32 $0xCCCD, s7  }
0xf: {  	s9 =	rddreg [dreg:$0x2]  }
0x10: {  	s6 =	simm.s32 $0x1;
	s11 =	simm.s32 $0x3;
	s8 =	sshrl.u32 s31, $0x17  }
0x11: {  	s13 =	simm.s32 $0x0;
	s12 =	simm.s32 $0x0;
	s10 =	smul.u32 $0xA0, s8  }
.Ltmp0:
0x12: {  	s9 =	sadd.s32 $0x64A00, s9;
	s1 =	rddreg [dreg:$0x3];
	(pc) =	sbr.rel .LBB2_1-.Ltmp0, $4  }
0x13: {  	_ =	strace $0x80000047;
	p0 =	sne.s32 s7, s10;
	s10 =	simm.s32 $0x1  }
0x14: {  	[sflag:s6] =	ssyncpa.u1 $0x0;
	s7 =	simm.s32 $0x2;
	s10 =	simm.s32 @!p0 $0x0  }
0x15: {  	[sflag:s7] =	ssyncpa.u1 $0x0;
	p0 =	por $0x0, $0x0;
	s8 =	sadd.s32 s8, s10  }
0x16: {  	vm0 =	vmmov $0xff;
	vm1 =	vcmask $0x3F20;
	[sflag:s11] =	ssyncpa.u1 $0x0;
	s11 =	smov.u32 s2;
	s10 =	sadd.s32 $0x1, s8  }
.LBB2_8:
0x17: {  	[hbm:s17] =	stream.linear.scatter [tilespmem:s14], [sflag:$0x3], $0x800, $0x38;
	[tilespmem:$0x14140] =	vst v63  }
.LBB2_9:
0x18: {  	s13 =	sadd.s32 $0xA0, s11  }
0x19: {  	s15 =	smov.u32 s2;
	p2 =	slt.s32 s13, s3  }
0x1a: {  	s15 =	smov.u32 @p2 s13;
	p2 =	sne.s32 s12, s10  }
.Ltmp1:
0x1b: {  	p1 =	slt.u32 s12, $0x2;
	(pc) =	sbr.rel @!p2 .LBB2_10-.Ltmp1, $4  }
0x1c: {  	s14 =	simm.s32 @!p1 $0x3  }
0x1d: {  	s16 =	sadd.s32 $0x1, s12;
	_ =	swait.ge @!p1 [sflag:s14], $0xA000  }
0x1e: {  	p0 =	por !p0, !p0;
	s13 =	smov.u32 s11;
	[sflag:s14] =	ssyncset.done @!p1 $0x0  }
0x1f: {  	s12 =	smov.u32 s16;
	s11 =	smov.u32 s15;
	[sflag:s14] =	ssyncadd.s32 @!p1 $0xFFFF6000  }
.LBB2_1:
0x20: {  	p1 =	sge.u32 s12, s8  }
0x21: {  	s14 =	sxor.u32 @!p1 $0xFFFFFFFF, s12  }
0x22: {  	s14 =	sand.u32 @!p1 $0x1, s14  }
0x23: {  	s14 =	smul.u32 @!p1 $0x280, s14  }
0x24: {  	s31 =	sadd.s32 $0xFFFFFFFF, s12;
	s15 =	sshrl.u32 @!p1 s11, $0x3  }
0x25: {  	s16 =	sand.u32 @!p1 $0x7, s11;
	s15 =	sadd.s32 @!p1 s5, s15;
	s14 =	sshrl.u32 @!p1 s14, $0x2  }
0x26: {  	[tilespmem:s14], [sflag:$0x2] =	stream.linear.gather @!p1 [hbm4b:s15+s16], $0xA0, $0x38;
	[tilespmem:$0x14140] =	vst v63  }
0x27: {  	p1 =	sge.u32 s31, s8  }
.Ltmp2:
0x28: {  	_ = 	snop;
	(pc) =	sbr.rel @p1 .LBB2_9-.Ltmp2, $1  }
0x29: {  	_ =	sdelay $0x3  }
0x2a: {  	s14 =	simm.s32 $0x1;
	s15 =	sand.u32 $0x1, s12  }
0x2b: {  	s14 =	simm.s32 @!p0 $0x0;
	s16 =	smul.u32 $0x28000, s15  }
0x2c: {  	_ =	swait.ge [sflag:s7], $0xA0;
	s14 =	smul.u32 $0x28000, s14  }
0x2d: {  	s17 =	simm.s32 $0x0;
	[sflag:s7] =	ssyncset.done $0x0;
	s15 =	smul.u32 $0x280, s15  }
0x2e: {  	[sflag:s7] =	ssyncadd.s32 $0xFFFFFF60;
	s16 =	sshrl.u32 s16, $0x2;
	s14 =	sshrl.u32 s14, $0x2  }
0x2f: {  	s15 =	sshrl.u32 s15, $0x2;
	s16 =	sor.u32 $0x140, s16;
	s14 =	sor.u32 $0x140, s14  }
.LBB2_3:
0x30: {  	s18 =	sshll.u32 s17, $0x4  }
0x31: {  	s18 =	sand.u32 $0x3FFFFFF0, s18  }
0x32: {  	s18 =	sadd.s32 s18, s15  }
0x33: {  	v0 =	vld.msk [tilespmem:s18+$0x0 ss:$0x1], $0xffff;
	_ =	sdelay $0x4  }
0x34: {  	vm2 =	vgt.s32 v0, $0x0  }
0x35: {  	v0 =	vnsel vm2, $0x0, v0  }
0x36: {  	v0 =	vmin.u32 v0, $0x1FFF  }
0x37: {  	s31 =	sshll.u32 s17, $0xC;
	v1 =	vshll.u32 v0, $0x5;
	v0 =	vshll.u32 v0, $0x4  }
0x38: {  	s18 =	sand.u32 $0x3FFFF000, s31;
	v1 =	vand.u32 $0x3FF00, v1;
	v0 =	vand.u32 $0x70, v0  }
0x39: {  	p1 =	por $0x1, $0x1;
	s19 =	simm.s32 $0x0;
	s18 =	sadd.s32 s18, s16;
	v0 =	vor.u32 v0, v1  }
.LBB2_4:
0x3a: {  	_ =	sdelay $0x1  }
0x3b: {  	s19 =	sshra.s32 s19, $0x2;
	p2 =	por p1, p1  }
.Ltmp3:
0x3c: {  	s19 =	sadd.s32 s19, s18;
	(pc) =	sbr.rel @p2 .LBB2_4-.Ltmp3, $4  }
0x3d: {  	[tilespmem:s19], [sflag:$0x1] =	stream.indirect_vreg.gather [hbm:s4], $0x80, v0, vm0, $0x38;
	[tilespmem:$0x14140] =	vst v63  }
0x3e: {  	s19 =	sadd.s32 $0x800, s19  }
0x3f: {  	[tilespmem:s19], [sflag:$0x1] =	stream.indirect_vreg.gather [hbm:s4], $0x80, v0, vm1, $0x38;
	[tilespmem:$0x14140] =	vst v63  }
0x40: {  	p1 =	por $0x0, $0x0;
	v0 =	vadd.s32 $0x80, v0;
	s19 =	simm.s32 $0x1000  }
0x41: {  	s17 =	sadd.s32 $0x1, s17  }
0x42: {  	p1 =	sne.s32 s17, $0xA  }
.Ltmp4:
0x43: {  	_ = 	snop;
	(pc) =	sbr.rel @p1 .LBB2_3-.Ltmp4, $1  }
0x44: {  	_ =	sdelay $0x3  }
0x45: {  	s15 =	sshll.u32 s13, $0x5  }
0x46: {  	s31 =	sshll.u32 s13, $0x4;
	s15 =	sand.u32 $0xFFFFFF00, s15  }
0x47: {  	_ =	swait.ge [sflag:s6], $0xA000;
	s13 =	sand.u32 $0x70, s31;
	s15 =	sadd.s32 s15, s9  }
0x48: {  	s16 =	sadd.s32 $0x800, s14;
	[sflag:s6] =	ssyncset.done $0x0;
	s13 =	sadd.s32 s13, s15  }
0x49: {  	[sflag:s6] =	ssyncadd.s32 $0xFFFF6000;
	s15 =	simm.s32 $0x100;
	s17 =	sadd.s32 $0x0, s13  }
.LBB2_7:
0x4a: {  	[hbm:s17] =	stream.linear.scatter [tilespmem:s14], [sflag:$0x3], $0x800, $0x38;
	[tilespmem:$0x14140] =	vst v63  }
0x4b: {  	s17 =	smov.u32 s15;
	s14 =	smov.u32 s16;
	p1 =	sne.s32 s15, $0x1300  }
.Ltmp5:
0x4c: {  	s15 =	sadd.s32 $0x100, s15;
	(pc) =	sbr.rel @p1 .LBB2_7-.Ltmp5, $2  }
0x4d: {  	_ =	sdelay $0x2  }
0x4e: {  	s16 =	sadd.s32 $0x800, s16;
	s17 =	sadd.s32 s17, s13  }
.Ltmp6:
0x4f: {  	_ = 	snop;
	(pc) =	sbr.rel .LBB2_8-.Ltmp6, $1  }
0x50: {  	_ =	sdelay $0x3  }
.LBB2_10:
0x51: {  	_ =	sfence.sel $0x180000  }
0x52: {  	s2 =	simm.s32 $0x2;
	[bflag:$0x0] =	sbarrier.arrive $0xFFFF  }
0x53: {  	s30 =	simm.s32 $0x3;
	[sflag:s2] =	ssyncpa.u1 $0x1  }
0x54: {  	s31 =	simm.s32 $0x1;
	[sflag:s30] =	ssyncpa.u1 $0x1  }
0x55: {  	[sflag:s31] =	ssyncpa.u1 $0x1  }
0x56: {  	p0 =	sne.s32 s0, $0x0;
	_ =	strace $0x90000047  }
0x57: {  	s0 =	sadd.s32 @!p0 $0x100000, s1;
	[bflag:$0x2] =	sbarrier.arrive $0xFFFF  }
0x58: {  	[sflag:s0] =	ssyncadd.tile.s32 @!p0 $0x1;
	_ =	shalt  }
.Lfunc_end2:
_tile_overlayer_lowered:
.L_overlay_start_2:
0x59: {  	(tag) =	ssettag $0x2  }
0x5a: {  	s0 =	rddreg [dreg:$0x0];
	s2 =	stileid.u32  }
0x5b: {  	s1 =	rddreg [dreg:$0x1];
	p0 =	sne.s32 s2, $0x0  }
0x5c: {  	s3 =	rddreg [dreg:$0x2];
	[bflag:$0x3] =	sbarrier.arrive $0xFFFF;
	s2 =	simm.s32 @!p0 $0x1C01  }
0x5d: {  	[timem:s3], [sflag:s2] =	dma.local @!p0 [hbm:s0], s1  }
0x5e: {  	s0 =	simm.s32 @!p0 $0x1  }
0x5f: {  	_ =	swait.ge @!p0 [sflag:s0], s1  }
0x60: {  	s1 =	ssub.s32 @!p0 $0x0, s1;
	[sflag:s0] =	ssyncset.done @!p0 $0x0  }
0x61: {  	[sflag:s0] =	ssyncadd.s32 @!p0 s1  }
0x62: {  	[bflag:$0x3] =	sbarrier.arrive $0xFFFF  }
0x63: {  	_ =	shalt  }

</sc_bundles>
